<compile_context>
chip_gen: v7x
topology: tpu7x:2x2x1
jax: 0.10.2.dev20260603
libtpu: 0.0.44.dev20260713+nightly
codegen_flags: <defaults>
</compile_context>

<pallas_src>
import functools

import jax
import jax.numpy as jnp
from jax import lax
from jax.experimental import pallas as pl
from jax.experimental.pallas import tpu as pltpu
from jax.experimental.pallas import tpu_sc as plsc

_VOCAB = 1000
_N = 51200
_NC, _NS, _LANES = 2, 16, 16
_NW = _NC * _NS
_RW = _N // _NW
_CH = 32
_NCH = _RW // _CH
_NB = 3


def _lse_body(tab_ref, out_ref):
    x = tab_ref[...]
    m = jnp.max(x, axis=1)
    s = jnp.sum(jnp.exp(x - m[:, None]), axis=1)
    out_ref[...] = jnp.log(s) + m


def _sum_body(p_ref, o_ref):
    o_ref[...] = (jnp.sum(p_ref[...]) / _N).reshape(1, 1)


def _sc_body(tab, idxf, tgtf, lse, out, part,
             idx_l, tgt_l, lse_l, accv,
             bufa, bufb, bufc, gsa, gsb, gsc, ssa, ssb, ssc):
    wid = lax.axis_index("s") * _NC + lax.axis_index("c")
    base = wid * _RW

    pltpu.sync_copy(idxf.at[pl.ds(base, _RW)], idx_l)
    pltpu.sync_copy(tgtf.at[pl.ds(base, _RW)], tgt_l)
    pltpu.sync_copy(lse, lse_l)

    bufs, gs, ss = (bufa, bufb, bufc), (gsa, gsb, gsc), (ssa, ssb, ssc)

    def gdesc(c, p):
        return pltpu.make_async_copy(
            tab.at[idx_l.at[pl.ds(c * _CH, _CH)]], bufs[p], gs[p])

    def sdesc(c, p):
        return pltpu.make_async_copy(
            bufs[p], out.at[pl.ds(base + c * _CH, _CH)], ss[p])

    def loss32(c, p, acc):
        iota = lax.iota(jnp.int32, _LANES)
        for h in range(_CH // _LANES):
            s = pl.ds(c * _CH + h * _LANES, _LANES)
            i16 = idx_l[s]
            l16 = plsc.load_gather(lse_l, [i16])
            v16 = plsc.load_gather(bufs[p], [h * _LANES + iota, tgt_l[s]])
            acc = acc + (l16 - v16)
        return acc

    acc = jnp.zeros((_LANES,), jnp.float32)
    gdesc(0, 0).start()
    gdesc(1, 1).start()
    gdesc(0, 0).wait()
    sdesc(0, 0).start()
    acc = loss32(0, 0, acc)
    gdesc(2, 2).start()
    gdesc(1, 1).wait()
    sdesc(1, 1).start()
    acc = loss32(1, 1, acc)
    sdesc(0, 0).wait()
    gdesc(3, 0).start()

    def ring(o, acc):
        for j, p in ((2, 2), (3, 0), (4, 1)):
            c = 3 * o + j
            gdesc(c, p).wait()
            sdesc(c, p).start()
            sdesc(c - 1, (p - 1) % _NB).wait()
            gdesc(c + 2, (p + 2) % _NB).start()
            acc = loss32(c, p, acc)
        return acc
    acc = lax.fori_loop(0, (_NCH - 5) // 3, ring, acc)

    for c in range(_NCH - 3, _NCH):
        p = c % _NB
        gdesc(c, p).wait()
        sdesc(c, p).start()
        acc = loss32(c, p, acc)
        sdesc(c - 1, (p - 1) % _NB).wait()
        if c + 2 < _NCH:
            gdesc(c + 2, (c + 2) % _NB).start()
    sdesc(_NCH - 1, (_NCH - 1) % _NB).wait()

    accv[...] = acc
    pltpu.sync_copy(accv, part.at[pl.ds(wid * _LANES, _LANES)])


_sc_gather_loss = functools.partial(
    pl.kernel,
    out_type=(jax.ShapeDtypeStruct((_N, _VOCAB), jnp.float32),
              jax.ShapeDtypeStruct((_NW * _LANES,), jnp.float32)),
    mesh=plsc.VectorSubcoreMesh(core_axis_name="c", subcore_axis_name="s",
                                num_cores=_NC, num_subcores=_NS),
    compiler_params=pltpu.CompilerParams(needs_layout_passes=False,
                                         use_tc_tiling_on_sc=False),
    scratch_types=[
        pltpu.VMEM((_RW,), jnp.int32),
        pltpu.VMEM((_RW,), jnp.int32),
        pltpu.VMEM((_VOCAB,), jnp.float32),
        pltpu.VMEM((_LANES,), jnp.float32),
        pltpu.VMEM((_CH, _VOCAB), jnp.float32),
        pltpu.VMEM((_CH, _VOCAB), jnp.float32),
        pltpu.VMEM((_CH, _VOCAB), jnp.float32),
        pltpu.SemaphoreType.DMA,
        pltpu.SemaphoreType.DMA,
        pltpu.SemaphoreType.DMA,
        pltpu.SemaphoreType.DMA,
        pltpu.SemaphoreType.DMA,
        pltpu.SemaphoreType.DMA,
    ],
)(_sc_body)


def kernel(idx, targets, table):
    idxf = idx.reshape(_N)
    tgtf = targets.reshape(_N)
    lse = pl.pallas_call(
        _lse_body,
        out_shape=jax.ShapeDtypeStruct((_VOCAB,), jnp.float32),
    )(table)
    logits2d, part = _sc_gather_loss(table, idxf, tgtf, lse)
    loss = pl.pallas_call(
        _sum_body,
        out_shape=jax.ShapeDtypeStruct((1, 1), jnp.float32),
    )(part)
    return logits2d, loss[0, 0]

# --- scband reference (transcript-rebuilt; emitter-appended) ---
"""Pipeline reference for scband-bigram-language-model-21741124453127 (READ-ONLY COPY).

The authoritative reference and input builder live on the scoring server;
editing this copy changes nothing except your own understanding.
"""

import jax, jax.numpy as jnp
import numpy as np

VOCAB = 1000
B, T = 1024, 50

def setup_inputs(seed: int = 0):
    key = jax.random.key(seed)
    k1, k2, k3 = jax.random.split(key, 3)
    idx = jax.random.randint(k1, (B, T), 0, VOCAB)
    targets = jax.random.randint(k2, (B, T), 0, VOCAB)
    table = jax.random.normal(k3, (VOCAB, VOCAB), dtype=jnp.float32) * 0.02
    return {"idx": idx, "targets": targets, "table": table}

def reference(idx, targets, table):
    # logits = token_embedding_table(idx) : gather rows of [VOCAB, VOCAB] table
    logits = jnp.take(table, idx, axis=0)            # [B, T, VOCAB]
    b, t, v = logits.shape
    logits2d = logits.reshape(b * t, v)              # [B*T, VOCAB]
    tgt = targets.reshape(b * t)                     # [B*T]
    # F.cross_entropy with mean reduction
    logp = jax.nn.log_softmax(logits2d, axis=-1)
    nll = -jnp.take_along_axis(logp, tgt[:, None], axis=1).squeeze(1)
    loss = jnp.mean(nll)
    return (logits2d, loss)

if __name__ == "__main__":
    import jax
    _d = setup_inputs()
    print(jax.jit(kernel)(*tuple(_d.values())))

</pallas_src>

<mosaic_0001>
#map = affine_map<(d0, d1) -> (0, 0)>
#map1 = affine_map<(d0, d1) -> (0)>
module attributes {stable_mosaic.version = 14 : i64} {
  func.func @_sc_body(%arg0: i32, %arg1: i32, %arg2: memref<1000x1000xf32, #tpu.memory_space<hbm>>, %arg3: memref<51200xi32, #tpu.memory_space<hbm>>, %arg4: memref<51200xi32, #tpu.memory_space<hbm>>, %arg5: memref<1000xf32, #tpu.memory_space<hbm>>, %arg6: memref<51200x1000xf32, #tpu.memory_space<hbm>>, %arg7: memref<512xf32, #tpu.memory_space<hbm>>, %arg8: memref<1600xi32, #tpu.memory_space<vmem>>, %arg9: memref<1600xi32, #tpu.memory_space<vmem>>, %arg10: memref<1000xf32, #tpu.memory_space<vmem>>, %arg11: memref<16xf32, #tpu.memory_space<vmem>>, %arg12: memref<32x1000xf32, #tpu.memory_space<vmem>>, %arg13: memref<32x1000xf32, #tpu.memory_space<vmem>>, %arg14: memref<32x1000xf32, #tpu.memory_space<vmem>>, %arg15: memref<!tpu.dma_semaphore, #tpu.memory_space<semaphore_mem>>, %arg16: memref<!tpu.dma_semaphore, #tpu.memory_space<semaphore_mem>>, %arg17: memref<!tpu.dma_semaphore, #tpu.memory_space<semaphore_mem>>, %arg18: memref<!tpu.dma_semaphore, #tpu.memory_space<semaphore_mem>>, %arg19: memref<!tpu.dma_semaphore, #tpu.memory_space<semaphore_mem>>, %arg20: memref<!tpu.dma_semaphore, #tpu.memory_space<semaphore_mem>>) attributes {dimension_semantics = [#tpu.dimension_semantics<core_parallel>, #tpu.dimension_semantics<subcore_parallel>], iteration_bounds = array<i64: 2, 16>, scalar_prefetch = 0 : i64, scratch_operands = 13 : i64, tpu.core_type = #tpu.core_type<sc_vector_subcore>, window_params = [{transform_indices = #map}, {transform_indices = #map1}, {transform_indices = #map1}, {transform_indices = #map1}, {transform_indices = #map}, {transform_indices = #map1}]} {
    %mul3A = arith.constant 2 : i32
    %mul3A_0 = arith.muli %arg1, %mul3A : i32
    %add3A = arith.addi %mul3A_0, %arg0 : i32
    %mul3A_1 = arith.constant 1600 : i32
    %mul3A_2 = arith.muli %add3A, %mul3A_1 : i32
    "tpu.region"() ({
      %run_scoped3A = tpu.sem_alloc : memref<!tpu.dma_semaphore, #tpu.memory_space<semaphore_mem>>
      %dma_start3A_231 = tpu.memref_slice %arg3[%mul3A_2] : memref<51200xi32, #tpu.memory_space<hbm>> -> memref<1600xi32, #tpu.memory_space<hbm>>
      %dma_start3A_232 = tpu.memref_slice %arg3[%mul3A_2] : memref<51200xi32, #tpu.memory_space<hbm>> -> memref<1600xi32, #tpu.memory_space<hbm>>
      tpu.enqueue_dma source(%dma_start3A_232 : memref<1600xi32, #tpu.memory_space<hbm>>) target(%arg8 : memref<1600xi32, #tpu.memory_space<vmem>>) target_semaphore(%run_scoped3A : memref<!tpu.dma_semaphore, #tpu.memory_space<semaphore_mem>>)
      %dma_wait3A_233 = tpu.memref_slice %arg3[%mul3A_2] : memref<51200xi32, #tpu.memory_space<hbm>> -> memref<1600xi32, #tpu.memory_space<hbm>>
      %dma_wait3A_234 = tpu.memref_slice %arg3[%mul3A_2] : memref<51200xi32, #tpu.memory_space<hbm>> -> memref<1600xi32, #tpu.memory_space<hbm>>
      tpu.wait_dma2 semaphore(%run_scoped3A : memref<!tpu.dma_semaphore, #tpu.memory_space<semaphore_mem>>) src(%dma_wait3A_234 : memref<1600xi32, #tpu.memory_space<hbm>>) dst(%arg8 : memref<1600xi32, #tpu.memory_space<vmem>>)
      tpu.yield
    }) : () -> ()
    "tpu.region"() ({
      %run_scoped3A = tpu.sem_alloc : memref<!tpu.dma_semaphore, #tpu.memory_space<semaphore_mem>>
      %dma_start3A_231 = tpu.memref_slice %arg4[%mul3A_2] : memref<51200xi32, #tpu.memory_space<hbm>> -> memref<1600xi32, #tpu.memory_space<hbm>>
      %dma_start3A_232 = tpu.memref_slice %arg4[%mul3A_2] : memref<51200xi32, #tpu.memory_space<hbm>> -> memref<1600xi32, #tpu.memory_space<hbm>>
      tpu.enqueue_dma source(%dma_start3A_232 : memref<1600xi32, #tpu.memory_space<hbm>>) target(%arg9 : memref<1600xi32, #tpu.memory_space<vmem>>) target_semaphore(%run_scoped3A : memref<!tpu.dma_semaphore, #tpu.memory_space<semaphore_mem>>)
      %dma_wait3A_233 = tpu.memref_slice %arg4[%mul3A_2] : memref<51200xi32, #tpu.memory_space<hbm>> -> memref<1600xi32, #tpu.memory_space<hbm>>
      %dma_wait3A_234 = tpu.memref_slice %arg4[%mul3A_2] : memref<51200xi32, #tpu.memory_space<hbm>> -> memref<1600xi32, #tpu.memory_space<hbm>>
      tpu.wait_dma2 semaphore(%run_scoped3A : memref<!tpu.dma_semaphore, #tpu.memory_space<semaphore_mem>>) src(%dma_wait3A_234 : memref<1600xi32, #tpu.memory_space<hbm>>) dst(%arg9 : memref<1600xi32, #tpu.memory_space<vmem>>)
      tpu.yield
    }) : () -> ()
    "tpu.region"() ({
      %run_scoped3A = tpu.sem_alloc : memref<!tpu.dma_semaphore, #tpu.memory_space<semaphore_mem>>
      tpu.enqueue_dma source(%arg5 : memref<1000xf32, #tpu.memory_space<hbm>>) target(%arg10 : memref<1000xf32, #tpu.memory_space<vmem>>) target_semaphore(%run_scoped3A : memref<!tpu.dma_semaphore, #tpu.memory_space<semaphore_mem>>)
      tpu.wait_dma2 semaphore(%run_scoped3A : memref<!tpu.dma_semaphore, #tpu.memory_space<semaphore_mem>>) src(%arg5 : memref<1000xf32, #tpu.memory_space<hbm>>) dst(%arg10 : memref<1000xf32, #tpu.memory_space<vmem>>)
      tpu.yield
    }) : () -> ()
    %broadcast_in_dim3A = arith.constant 0.000000e+00 : f32
    %broadcast_in_dim3A_3 = vector.broadcast %broadcast_in_dim3A : f32 to vector<16xf32>
    %dma_start3A = arith.constant 0 : i32
    %dma_start3A_4 = tpu.memref_slice %arg8[%dma_start3A] : memref<1600xi32, #tpu.memory_space<vmem>> -> memref<32xi32, #tpu.memory_space<vmem>>
    %dma_start3A_5 = arith.constant 0 : i32
    %dma_start3A_6 = arith.constant 0 : i32
    %dma_start3A_7 = tpu.memref_slice %arg2[%dma_start3A_5, %dma_start3A_6] : memref<1000x1000xf32, #tpu.memory_space<hbm>> -> memref<1000x1000xf32, #tpu.memory_space<hbm>>
    tpu.enqueue_indirect_dma source(%dma_start3A_7 : memref<1000x1000xf32, #tpu.memory_space<hbm>>) target(%arg12 : memref<32x1000xf32, #tpu.memory_space<vmem>>) offsets(%dma_start3A_4 : memref<32xi32, #tpu.memory_space<vmem>>) semaphore(%arg15 : memref<!tpu.dma_semaphore, #tpu.memory_space<semaphore_mem>>)
    %dma_start3A_8 = arith.constant 32 : i32
    %dma_start3A_9 = tpu.memref_slice %arg8[%dma_start3A_8] : memref<1600xi32, #tpu.memory_space<vmem>> -> memref<32xi32, #tpu.memory_space<vmem>>
    %dma_start3A_10 = arith.constant 0 : i32
    %dma_start3A_11 = arith.constant 0 : i32
    %dma_start3A_12 = tpu.memref_slice %arg2[%dma_start3A_10, %dma_start3A_11] : memref<1000x1000xf32, #tpu.memory_space<hbm>> -> memref<1000x1000xf32, #tpu.memory_space<hbm>>
    tpu.enqueue_indirect_dma source(%dma_start3A_12 : memref<1000x1000xf32, #tpu.memory_space<hbm>>) target(%arg13 : memref<32x1000xf32, #tpu.memory_space<vmem>>) offsets(%dma_start3A_9 : memref<32xi32, #tpu.memory_space<vmem>>) semaphore(%arg16 : memref<!tpu.dma_semaphore, #tpu.memory_space<semaphore_mem>>)
    %dma_wait3A = arith.constant 0 : i32
    %dma_wait3A_13 = tpu.memref_slice %arg8[%dma_wait3A] : memref<1600xi32, #tpu.memory_space<vmem>> -> memref<32xi32, #tpu.memory_space<vmem>>
    %dma_wait3A_14 = arith.constant 0 : i32
    %dma_wait3A_15 = arith.constant 0 : i32
    %dma_wait3A_16 = tpu.memref_slice %arg2[%dma_wait3A_14, %dma_wait3A_15] : memref<1000x1000xf32, #tpu.memory_space<hbm>> -> memref<1000x1000xf32, #tpu.memory_space<hbm>>
    tpu.wait_indirect_dma semaphore(%arg15 : memref<!tpu.dma_semaphore, #tpu.memory_space<semaphore_mem>>) src(%dma_wait3A_16 : memref<1000x1000xf32, #tpu.memory_space<hbm>>) dst(%arg12 : memref<32x1000xf32, #tpu.memory_space<vmem>>)
    %add3A_17 = arith.constant 0 : i32
    %add3A_18 = arith.addi %mul3A_2, %add3A_17 : i32
    %dma_start3A_19 = arith.constant 0 : i32
    %dma_start3A_20 = tpu.memref_slice %arg6[%add3A_18, %dma_start3A_19] : memref<51200x1000xf32, #tpu.memory_space<hbm>> -> memref<32x1000xf32, #tpu.memory_space<hbm>>
    %dma_start3A_21 = arith.constant 0 : i32
    %dma_start3A_22 = tpu.memref_slice %arg6[%add3A_18, %dma_start3A_21] : memref<51200x1000xf32, #tpu.memory_space<hbm>> -> memref<32x1000xf32, #tpu.memory_space<hbm>>
    tpu.enqueue_dma source(%arg12 : memref<32x1000xf32, #tpu.memory_space<vmem>>) target(%dma_start3A_22 : memref<32x1000xf32, #tpu.memory_space<hbm>>) target_semaphore(%arg18 : memref<!tpu.dma_semaphore, #tpu.memory_space<semaphore_mem>>)
    %iota3A = tpu.iota {dimensions = array<i32: 0>} : vector<16xi32>
    %get3A = arith.constant 0 : index
    %get3A_23 = tpu.vector_load %arg8[%get3A] {strides = array<i32>} : memref<1600xi32, #tpu.memory_space<vmem>>, vector<16xi32>,
    %gather3A = tpu.vector_load_idx %arg10[%get3A_23] : memref<1000xf32, #tpu.memory_space<vmem>>[vector<16xi32>], vector<16xf32>,
    %add3A_24 = arith.constant 0 : i32
    %add3A_25 = vector.broadcast %add3A_24 : i32 to vector<16xi32>
    %add3A_26 = arith.addi %add3A_25, %iota3A : vector<16xi32>
    %get3A_27 = arith.constant 0 : index
    %get3A_28 = tpu.vector_load %arg9[%get3A_27] {strides = array<i32>} : memref<1600xi32, #tpu.memory_space<vmem>>, vector<16xi32>,
    %gather3A_29 = tpu.vector_load_idx %arg12[%add3A_26, %get3A_28] : memref<32x1000xf32, #tpu.memory_space<vmem>>[vector<16xi32>, vector<16xi32>], vector<16xf32>,
    %sub3A = arith.subf %gather3A, %gather3A_29 : vector<16xf32>
    %add3A_30 = arith.addf %broadcast_in_dim3A_3, %sub3A : vector<16xf32>
    %get3A_31 = arith.constant 16 : index
    %get3A_32 = tpu.vector_load %arg8[%get3A_31] {strides = array<i32>} : memref<1600xi32, #tpu.memory_space<vmem>>, vector<16xi32>,
    %gather3A_33 = tpu.vector_load_idx %arg10[%get3A_32] : memref<1000xf32, #tpu.memory_space<vmem>>[vector<16xi32>], vector<16xf32>,
    %add3A_34 = arith.constant 16 : i32
    %add3A_35 = vector.broadcast %add3A_34 : i32 to vector<16xi32>
    %add3A_36 = arith.addi %add3A_35, %iota3A : vector<16xi32>
    %get3A_37 = arith.constant 16 : index
    %get3A_38 = tpu.vector_load %arg9[%get3A_37] {strides = array<i32>} : memref<1600xi32, #tpu.memory_space<vmem>>, vector<16xi32>,
    %gather3A_39 = tpu.vector_load_idx %arg12[%add3A_36, %get3A_38] : memref<32x1000xf32, #tpu.memory_space<vmem>>[vector<16xi32>, vector<16xi32>], vector<16xf32>,
    %sub3A_40 = arith.subf %gather3A_33, %gather3A_39 : vector<16xf32>
    %add3A_41 = arith.addf %add3A_30, %sub3A_40 : vector<16xf32>
    %dma_start3A_42 = arith.constant 64 : i32
    %dma_start3A_43 = tpu.memref_slice %arg8[%dma_start3A_42] : memref<1600xi32, #tpu.memory_space<vmem>> -> memref<32xi32, #tpu.memory_space<vmem>>
    %dma_start3A_44 = arith.constant 0 : i32
    %dma_start3A_45 = arith.constant 0 : i32
    %dma_start3A_46 = tpu.memref_slice %arg2[%dma_start3A_44, %dma_start3A_45] : memref<1000x1000xf32, #tpu.memory_space<hbm>> -> memref<1000x1000xf32, #tpu.memory_space<hbm>>
    tpu.enqueue_indirect_dma source(%dma_start3A_46 : memref<1000x1000xf32, #tpu.memory_space<hbm>>) target(%arg14 : memref<32x1000xf32, #tpu.memory_space<vmem>>) offsets(%dma_start3A_43 : memref<32xi32, #tpu.memory_space<vmem>>) semaphore(%arg17 : memref<!tpu.dma_semaphore, #tpu.memory_space<semaphore_mem>>)
    %dma_wait3A_47 = arith.constant 32 : i32
    %dma_wait3A_48 = tpu.memref_slice %arg8[%dma_wait3A_47] : memref<1600xi32, #tpu.memory_space<vmem>> -> memref<32xi32, #tpu.memory_space<vmem>>
    %dma_wait3A_49 = arith.constant 0 : i32
    %dma_wait3A_50 = arith.constant 0 : i32
    %dma_wait3A_51 = tpu.memref_slice %arg2[%dma_wait3A_49, %dma_wait3A_50] : memref<1000x1000xf32, #tpu.memory_space<hbm>> -> memref<1000x1000xf32, #tpu.memory_space<hbm>>
    tpu.wait_indirect_dma semaphore(%arg16 : memref<!tpu.dma_semaphore, #tpu.memory_space<semaphore_mem>>) src(%dma_wait3A_51 : memref<1000x1000xf32, #tpu.memory_space<hbm>>) dst(%arg13 : memref<32x1000xf32, #tpu.memory_space<vmem>>)
    %add3A_52 = arith.constant 32 : i32
    %add3A_53 = arith.addi %mul3A_2, %add3A_52 : i32
    %dma_start3A_54 = arith.constant 0 : i32
    %dma_start3A_55 = tpu.memref_slice %arg6[%add3A_53, %dma_start3A_54] : memref<51200x1000xf32, #tpu.memory_space<hbm>> -> memref<32x1000xf32, #tpu.memory_space<hbm>>
    %dma_start3A_56 = arith.constant 0 : i32
    %dma_start3A_57 = tpu.memref_slice %arg6[%add3A_53, %dma_start3A_56] : memref<51200x1000xf32, #tpu.memory_space<hbm>> -> memref<32x1000xf32, #tpu.memory_space<hbm>>
    tpu.enqueue_dma source(%arg13 : memref<32x1000xf32, #tpu.memory_space<vmem>>) target(%dma_start3A_57 : memref<32x1000xf32, #tpu.memory_space<hbm>>) target_semaphore(%arg19 : memref<!tpu.dma_semaphore, #tpu.memory_space<semaphore_mem>>)
    %iota3A_58 = tpu.iota {dimensions = array<i32: 0>} : vector<16xi32>
    %get3A_59 = arith.constant 32 : index
    %get3A_60 = tpu.vector_load %arg8[%get3A_59] {strides = array<i32>} : memref<1600xi32, #tpu.memory_space<vmem>>, vector<16xi32>,
    %gather3A_61 = tpu.vector_load_idx %arg10[%get3A_60] : memref<1000xf32, #tpu.memory_space<vmem>>[vector<16xi32>], vector<16xf32>,
    %add3A_62 = arith.constant 0 : i32
    %add3A_63 = vector.broadcast %add3A_62 : i32 to vector<16xi32>
    %add3A_64 = arith.addi %add3A_63, %iota3A_58 : vector<16xi32>
    %get3A_65 = arith.constant 32 : index
    %get3A_66 = tpu.vector_load %arg9[%get3A_65] {strides = array<i32>} : memref<1600xi32, #tpu.memory_space<vmem>>, vector<16xi32>,
    %gather3A_67 = tpu.vector_load_idx %arg13[%add3A_64, %get3A_66] : memref<32x1000xf32, #tpu.memory_space<vmem>>[vector<16xi32>, vector<16xi32>], vector<16xf32>,
    %sub3A_68 = arith.subf %gather3A_61, %gather3A_67 : vector<16xf32>
    %add3A_69 = arith.addf %add3A_41, %sub3A_68 : vector<16xf32>
    %get3A_70 = arith.constant 48 : index
    %get3A_71 = tpu.vector_load %arg8[%get3A_70] {strides = array<i32>} : memref<1600xi32, #tpu.memory_space<vmem>>, vector<16xi32>,
    %gather3A_72 = tpu.vector_load_idx %arg10[%get3A_71] : memref<1000xf32, #tpu.memory_space<vmem>>[vector<16xi32>], vector<16xf32>,
    %add3A_73 = arith.constant 16 : i32
    %add3A_74 = vector.broadcast %add3A_73 : i32 to vector<16xi32>
    %add3A_75 = arith.addi %add3A_74, %iota3A_58 : vector<16xi32>
    %get3A_76 = arith.constant 48 : index
    %get3A_77 = tpu.vector_load %arg9[%get3A_76] {strides = array<i32>} : memref<1600xi32, #tpu.memory_space<vmem>>, vector<16xi32>,
    %gather3A_78 = tpu.vector_load_idx %arg13[%add3A_75, %get3A_77] : memref<32x1000xf32, #tpu.memory_space<vmem>>[vector<16xi32>, vector<16xi32>], vector<16xf32>,
    %sub3A_79 = arith.subf %gather3A_72, %gather3A_78 : vector<16xf32>
    %add3A_80 = arith.addf %add3A_69, %sub3A_79 : vector<16xf32>
    %add3A_81 = arith.constant 0 : i32
    %add3A_82 = arith.addi %mul3A_2, %add3A_81 : i32
    %dma_wait3A_83 = arith.constant 0 : i32
    %dma_wait3A_84 = tpu.memref_slice %arg6[%add3A_82, %dma_wait3A_83] : memref<51200x1000xf32, #tpu.memory_space<hbm>> -> memref<32x1000xf32, #tpu.memory_space<hbm>>
    %dma_wait3A_85 = arith.constant 0 : i32
    %dma_wait3A_86 = tpu.memref_slice %arg6[%add3A_82, %dma_wait3A_85] : memref<51200x1000xf32, #tpu.memory_space<hbm>> -> memref<32x1000xf32, #tpu.memory_space<hbm>>
    tpu.wait_dma2 semaphore(%arg18 : memref<!tpu.dma_semaphore, #tpu.memory_space<semaphore_mem>>) src(%arg12 : memref<32x1000xf32, #tpu.memory_space<vmem>>) dst(%dma_wait3A_86 : memref<32x1000xf32, #tpu.memory_space<hbm>>)
    %dma_start3A_87 = arith.constant 96 : i32
    %dma_start3A_88 = tpu.memref_slice %arg8[%dma_start3A_87] : memref<1600xi32, #tpu.memory_space<vmem>> -> memref<32xi32, #tpu.memory_space<vmem>>
    %dma_start3A_89 = arith.constant 0 : i32
    %dma_start3A_90 = arith.constant 0 : i32
    %dma_start3A_91 = tpu.memref_slice %arg2[%dma_start3A_89, %dma_start3A_90] : memref<1000x1000xf32, #tpu.memory_space<hbm>> -> memref<1000x1000xf32, #tpu.memory_space<hbm>>
    tpu.enqueue_indirect_dma source(%dma_start3A_91 : memref<1000x1000xf32, #tpu.memory_space<hbm>>) target(%arg12 : memref<32x1000xf32, #tpu.memory_space<vmem>>) offsets(%dma_start3A_88 : memref<32xi32, #tpu.memory_space<vmem>>) semaphore(%arg15 : memref<!tpu.dma_semaphore, #tpu.memory_space<semaphore_mem>>)
    %scan3A = arith.constant 0 : i32
    %scan3A_92 = arith.constant 15 : i32
    %scan3A_93 = arith.addi %scan3A, %scan3A_92 : i32
    %scan3A_94 = arith.constant 1 : i32
    %scan3A_95 = scf.for %scan3A_231 = %scan3A to %scan3A_93 step %scan3A_94 iter_args(%scan3A_232 = %add3A_80) -> (vector<16xf32>)  : i32 {
      %mul3A_233 = arith.constant 3 : i32
      %mul3A_234 = arith.muli %mul3A_233, %scan3A_231 : i32
      %add3A_235 = arith.constant 2 : i32
      %add3A_236 = arith.addi %mul3A_234, %add3A_235 : i32
      %mul3A_237 = arith.constant 32 : i32
      %mul3A_238 = arith.muli %add3A_236, %mul3A_237 : i32
      %dma_wait3A_239 = tpu.memref_slice %arg8[%mul3A_238] : memref<1600xi32, #tpu.memory_space<vmem>> -> memref<32xi32, #tpu.memory_space<vmem>>
      %dma_wait3A_240 = arith.constant 0 : i32
      %dma_wait3A_241 = arith.constant 0 : i32
      %dma_wait3A_242 = tpu.memref_slice %arg2[%dma_wait3A_240, %dma_wait3A_241] : memref<1000x1000xf32, #tpu.memory_space<hbm>> -> memref<1000x1000xf32, #tpu.memory_space<hbm>>
      tpu.wait_indirect_dma semaphore(%arg17 : memref<!tpu.dma_semaphore, #tpu.memory_space<semaphore_mem>>) src(%dma_wait3A_242 : memref<1000x1000xf32, #tpu.memory_space<hbm>>) dst(%arg14 : memref<32x1000xf32, #tpu.memory_space<vmem>>)
      %mul3A_243 = arith.constant 32 : i32
      %mul3A_244 = arith.muli %add3A_236, %mul3A_243 : i32
      %add3A_245 = arith.addi %mul3A_2, %mul3A_244 : i32
      %dma_start3A_246 = arith.constant 0 : i32
      %dma_start3A_247 = tpu.memref_slice %arg6[%add3A_245, %dma_start3A_246] : memref<51200x1000xf32, #tpu.memory_space<hbm>> -> memref<32x1000xf32, #tpu.memory_space<hbm>>
      %dma_start3A_248 = arith.constant 0 : i32
      %dma_start3A_249 = tpu.memref_slice %arg6[%add3A_245, %dma_start3A_248] : memref<51200x1000xf32, #tpu.memory_space<hbm>> -> memref<32x1000xf32, #tpu.memory_space<hbm>>
      tpu.enqueue_dma source(%arg14 : memref<32x1000xf32, #tpu.memory_space<vmem>>) target(%dma_start3A_249 : memref<32x1000xf32, #tpu.memory_space<hbm>>) target_semaphore(%arg20 : memref<!tpu.dma_semaphore, #tpu.memory_space<semaphore_mem>>)
      %sub3A_250 = arith.constant 1 : i32
      %sub3A_251 = arith.subi %add3A_236, %sub3A_250 : i32
      %mul3A_252 = arith.constant 32 : i32
      %mul3A_253 = arith.muli %sub3A_251, %mul3A_252 : i32
      %add3A_254 = arith.addi %mul3A_2, %mul3A_253 : i32
      %dma_wait3A_255 = arith.constant 0 : i32
      %dma_wait3A_256 = tpu.memref_slice %arg6[%add3A_254, %dma_wait3A_255] : memref<51200x1000xf32, #tpu.memory_space<hbm>> -> memref<32x1000xf32, #tpu.memory_space<hbm>>
      %dma_wait3A_257 = arith.constant 0 : i32
      %dma_wait3A_258 = tpu.memref_slice %arg6[%add3A_254, %dma_wait3A_257] : memref<51200x1000xf32, #tpu.memory_space<hbm>> -> memref<32x1000xf32, #tpu.memory_space<hbm>>
      tpu.wait_dma2 semaphore(%arg19 : memref<!tpu.dma_semaphore, #tpu.memory_space<semaphore_mem>>) src(%arg13 : memref<32x1000xf32, #tpu.memory_space<vmem>>) dst(%dma_wait3A_258 : memref<32x1000xf32, #tpu.memory_space<hbm>>)
      %add3A_259 = arith.constant 2 : i32
      %add3A_260 = arith.addi %add3A_236, %add3A_259 : i32
      %mul3A_261 = arith.constant 32 : i32
      %mul3A_262 = arith.muli %add3A_260, %mul3A_261 : i32
      %dma_start3A_263 = tpu.memref_slice %arg8[%mul3A_262] : memref<1600xi32, #tpu.memory_space<vmem>> -> memref<32xi32, #tpu.memory_space<vmem>>
      %dma_start3A_264 = arith.constant 0 : i32
      %dma_start3A_265 = arith.constant 0 : i32
      %dma_start3A_266 = tpu.memref_slice %arg2[%dma_start3A_264, %dma_start3A_265] : memref<1000x1000xf32, #tpu.memory_space<hbm>> -> memref<1000x1000xf32, #tpu.memory_space<hbm>>
      tpu.enqueue_indirect_dma source(%dma_start3A_266 : memref<1000x1000xf32, #tpu.memory_space<hbm>>) target(%arg13 : memref<32x1000xf32, #tpu.memory_space<vmem>>) offsets(%dma_start3A_263 : memref<32xi32, #tpu.memory_space<vmem>>) semaphore(%arg16 : memref<!tpu.dma_semaphore, #tpu.memory_space<semaphore_mem>>)
      %iota3A_267 = tpu.iota {dimensions = array<i32: 0>} : vector<16xi32>
      %mul3A_268 = arith.constant 32 : i32
      %mul3A_269 = arith.muli %add3A_236, %mul3A_268 : i32
      %add3A_270 = arith.constant 0 : i32
      %add3A_271 = arith.addi %mul3A_269, %add3A_270 : i32
      %get3A_272 = arith.index_cast %add3A_271 : i32 to index
      %get3A_273 = tpu.vector_load %arg8[%get3A_272] {strides = array<i32>} : memref<1600xi32, #tpu.memory_space<vmem>>, vector<16xi32>,
      %gather3A_274 = tpu.vector_load_idx %arg10[%get3A_273] : memref<1000xf32, #tpu.memory_space<vmem>>[vector<16xi32>], vector<16xf32>,
      %add3A_275 = arith.constant 0 : i32
      %add3A_276 = vector.broadcast %add3A_275 : i32 to vector<16xi32>
      %add3A_277 = arith.addi %add3A_276, %iota3A_267 : vector<16xi32>
      %get3A_278 = arith.index_cast %add3A_271 : i32 to index
      %get3A_279 = tpu.vector_load %arg9[%get3A_278] {strides = array<i32>} : memref<1600xi32, #tpu.memory_space<vmem>>, vector<16xi32>,
      %gather3A_280 = tpu.vector_load_idx %arg14[%add3A_277, %get3A_279] : memref<32x1000xf32, #tpu.memory_space<vmem>>[vector<16xi32>, vector<16xi32>], vector<16xf32>,
      %sub3A_281 = arith.subf %gather3A_274, %gather3A_280 : vector<16xf32>
      %add3A_282 = arith.addf %scan3A_232, %sub3A_281 : vector<16xf32>
      %mul3A_283 = arith.constant 32 : i32
      %mul3A_284 = arith.muli %add3A_236, %mul3A_283 : i32
      %add3A_285 = arith.constant 16 : i32
      %add3A_286 = arith.addi %mul3A_284, %add3A_285 : i32
      %get3A_287 = arith.index_cast %add3A_286 : i32 to index
      %get3A_288 = tpu.vector_load %arg8[%get3A_287] {strides = array<i32>} : memref<1600xi32, #tpu.memory_space<vmem>>, vector<16xi32>,
      %gather3A_289 = tpu.vector_load_idx %arg10[%get3A_288] : memref<1000xf32, #tpu.memory_space<vmem>>[vector<16xi32>], vector<16xf32>,
      %add3A_290 = arith.constant 16 : i32
      %add3A_291 = vector.broadcast %add3A_290 : i32 to vector<16xi32>
      %add3A_292 = arith.addi %add3A_291, %iota3A_267 : vector<16xi32>
      %get3A_293 = arith.index_cast %add3A_286 : i32 to index
      %get3A_294 = tpu.vector_load %arg9[%get3A_293] {strides = array<i32>} : memref<1600xi32, #tpu.memory_space<vmem>>, vector<16xi32>,
      %gather3A_295 = tpu.vector_load_idx %arg14[%add3A_292, %get3A_294] : memref<32x1000xf32, #tpu.memory_space<vmem>>[vector<16xi32>, vector<16xi32>], vector<16xf32>,
      %sub3A_296 = arith.subf %gather3A_289, %gather3A_295 : vector<16xf32>
      %add3A_297 = arith.addf %add3A_282, %sub3A_296 : vector<16xf32>
      %mul3A_298 = arith.constant 3 : i32
      %mul3A_299 = arith.muli %mul3A_298, %scan3A_231 : i32
      %add3A_300 = arith.constant 3 : i32
      %add3A_301 = arith.addi %mul3A_299, %add3A_300 : i32
      %mul3A_302 = arith.constant 32 : i32
      %mul3A_303 = arith.muli %add3A_301, %mul3A_302 : i32
      %dma_wait3A_304 = tpu.memref_slice %arg8[%mul3A_303] : memref<1600xi32, #tpu.memory_space<vmem>> -> memref<32xi32, #tpu.memory_space<vmem>>
      %dma_wait3A_305 = arith.constant 0 : i32
      %dma_wait3A_306 = arith.constant 0 : i32
      %dma_wait3A_307 = tpu.memref_slice %arg2[%dma_wait3A_305, %dma_wait3A_306] : memref<1000x1000xf32, #tpu.memory_space<hbm>> -> memref<1000x1000xf32, #tpu.memory_space<hbm>>
      tpu.wait_indirect_dma semaphore(%arg15 : memref<!tpu.dma_semaphore, #tpu.memory_space<semaphore_mem>>) src(%dma_wait3A_307 : memref<1000x1000xf32, #tpu.memory_space<hbm>>) dst(%arg12 : memref<32x1000xf32, #tpu.memory_space<vmem>>)
      %mul3A_308 = arith.constant 32 : i32
      %mul3A_309 = arith.muli %add3A_301, %mul3A_308 : i32
      %add3A_310 = arith.addi %mul3A_2, %mul3A_309 : i32
      %dma_start3A_311 = arith.constant 0 : i32
      %dma_start3A_312 = tpu.memref_slice %arg6[%add3A_310, %dma_start3A_311] : memref<51200x1000xf32, #tpu.memory_space<hbm>> -> memref<32x1000xf32, #tpu.memory_space<hbm>>
      %dma_start3A_313 = arith.constant 0 : i32
      %dma_start3A_314 = tpu.memref_slice %arg6[%add3A_310, %dma_start3A_313] : memref<51200x1000xf32, #tpu.memory_space<hbm>> -> memref<32x1000xf32, #tpu.memory_space<hbm>>
      tpu.enqueue_dma source(%arg12 : memref<32x1000xf32, #tpu.memory_space<vmem>>) target(%dma_start3A_314 : memref<32x1000xf32, #tpu.memory_space<hbm>>) target_semaphore(%arg18 : memref<!tpu.dma_semaphore, #tpu.memory_space<semaphore_mem>>)
      %sub3A_315 = arith.constant 1 : i32
      %sub3A_316 = arith.subi %add3A_301, %sub3A_315 : i32
      %mul3A_317 = arith.constant 32 : i32
      %mul3A_318 = arith.muli %sub3A_316, %mul3A_317 : i32
      %add3A_319 = arith.addi %mul3A_2, %mul3A_318 : i32
      %dma_wait3A_320 = arith.constant 0 : i32
      %dma_wait3A_321 = tpu.memref_slice %arg6[%add3A_319, %dma_wait3A_320] : memref<51200x1000xf32, #tpu.memory_space<hbm>> -> memref<32x1000xf32, #tpu.memory_space<hbm>>
      %dma_wait3A_322 = arith.constant 0 : i32
      %dma_wait3A_323 = tpu.memref_slice %arg6[%add3A_319, %dma_wait3A_322] : memref<51200x1000xf32, #tpu.memory_space<hbm>> -> memref<32x1000xf32, #tpu.memory_space<hbm>>
      tpu.wait_dma2 semaphore(%arg20 : memref<!tpu.dma_semaphore, #tpu.memory_space<semaphore_mem>>) src(%arg14 : memref<32x1000xf32, #tpu.memory_space<vmem>>) dst(%dma_wait3A_323 : memref<32x1000xf32, #tpu.memory_space<hbm>>)
      %add3A_324 = arith.constant 2 : i32
      %add3A_325 = arith.addi %add3A_301, %add3A_324 : i32
      %mul3A_326 = arith.constant 32 : i32
      %mul3A_327 = arith.muli %add3A_325, %mul3A_326 : i32
      %dma_start3A_328 = tpu.memref_slice %arg8[%mul3A_327] : memref<1600xi32, #tpu.memory_space<vmem>> -> memref<32xi32, #tpu.memory_space<vmem>>
      %dma_start3A_329 = arith.constant 0 : i32
      %dma_start3A_330 = arith.constant 0 : i32
      %dma_start3A_331 = tpu.memref_slice %arg2[%dma_start3A_329, %dma_start3A_330] : memref<1000x1000xf32, #tpu.memory_space<hbm>> -> memref<1000x1000xf32, #tpu.memory_space<hbm>>
      tpu.enqueue_indirect_dma source(%dma_start3A_331 : memref<1000x1000xf32, #tpu.memory_space<hbm>>) target(%arg14 : memref<32x1000xf32, #tpu.memory_space<vmem>>) offsets(%dma_start3A_328 : memref<32xi32, #tpu.memory_space<vmem>>) semaphore(%arg17 : memref<!tpu.dma_semaphore, #tpu.memory_space<semaphore_mem>>)
      %iota3A_332 = tpu.iota {dimensions = array<i32: 0>} : vector<16xi32>
      %mul3A_333 = arith.constant 32 : i32
      %mul3A_334 = arith.muli %add3A_301, %mul3A_333 : i32
      %add3A_335 = arith.constant 0 : i32
      %add3A_336 = arith.addi %mul3A_334, %add3A_335 : i32
      %get3A_337 = arith.index_cast %add3A_336 : i32 to index
      %get3A_338 = tpu.vector_load %arg8[%get3A_337] {strides = array<i32>} : memref<1600xi32, #tpu.memory_space<vmem>>, vector<16xi32>,
      %gather3A_339 = tpu.vector_load_idx %arg10[%get3A_338] : memref<1000xf32, #tpu.memory_space<vmem>>[vector<16xi32>], vector<16xf32>,
      %add3A_340 = arith.constant 0 : i32
      %add3A_341 = vector.broadcast %add3A_340 : i32 to vector<16xi32>
      %add3A_342 = arith.addi %add3A_341, %iota3A_332 : vector<16xi32>
      %get3A_343 = arith.index_cast %add3A_336 : i32 to index
      %get3A_344 = tpu.vector_load %arg9[%get3A_343] {strides = array<i32>} : memref<1600xi32, #tpu.memory_space<vmem>>, vector<16xi32>,
      %gather3A_345 = tpu.vector_load_idx %arg12[%add3A_342, %get3A_344] : memref<32x1000xf32, #tpu.memory_space<vmem>>[vector<16xi32>, vector<16xi32>], vector<16xf32>,
      %sub3A_346 = arith.subf %gather3A_339, %gather3A_345 : vector<16xf32>
      %add3A_347 = arith.addf %add3A_297, %sub3A_346 : vector<16xf32>
      %mul3A_348 = arith.constant 32 : i32
      %mul3A_349 = arith.muli %add3A_301, %mul3A_348 : i32
      %add3A_350 = arith.constant 16 : i32
      %add3A_351 = arith.addi %mul3A_349, %add3A_350 : i32
      %get3A_352 = arith.index_cast %add3A_351 : i32 to index
      %get3A_353 = tpu.vector_load %arg8[%get3A_352] {strides = array<i32>} : memref<1600xi32, #tpu.memory_space<vmem>>, vector<16xi32>,
      %gather3A_354 = tpu.vector_load_idx %arg10[%get3A_353] : memref<1000xf32, #tpu.memory_space<vmem>>[vector<16xi32>], vector<16xf32>,
      %add3A_355 = arith.constant 16 : i32
      %add3A_356 = vector.broadcast %add3A_355 : i32 to vector<16xi32>
      %add3A_357 = arith.addi %add3A_356, %iota3A_332 : vector<16xi32>
      %get3A_358 = arith.index_cast %add3A_351 : i32 to index
      %get3A_359 = tpu.vector_load %arg9[%get3A_358] {strides = array<i32>} : memref<1600xi32, #tpu.memory_space<vmem>>, vector<16xi32>,
      %gather3A_360 = tpu.vector_load_idx %arg12[%add3A_357, %get3A_359] : memref<32x1000xf32, #tpu.memory_space<vmem>>[vector<16xi32>, vector<16xi32>], vector<16xf32>,
      %sub3A_361 = arith.subf %gather3A_354, %gather3A_360 : vector<16xf32>
      %add3A_362 = arith.addf %add3A_347, %sub3A_361 : vector<16xf32>
      %mul3A_363 = arith.constant 3 : i32
      %mul3A_364 = arith.muli %mul3A_363, %scan3A_231 : i32
      %add3A_365 = arith.constant 4 : i32
      %add3A_366 = arith.addi %mul3A_364, %add3A_365 : i32
      %mul3A_367 = arith.constant 32 : i32
      %mul3A_368 = arith.muli %add3A_366, %mul3A_367 : i32
      %dma_wait3A_369 = tpu.memref_slice %arg8[%mul3A_368] : memref<1600xi32, #tpu.memory_space<vmem>> -> memref<32xi32, #tpu.memory_space<vmem>>
      %dma_wait3A_370 = arith.constant 0 : i32
      %dma_wait3A_371 = arith.constant 0 : i32
      %dma_wait3A_372 = tpu.memref_slice %arg2[%dma_wait3A_370, %dma_wait3A_371] : memref<1000x1000xf32, #tpu.memory_space<hbm>> -> memref<1000x1000xf32, #tpu.memory_space<hbm>>
      tpu.wait_indirect_dma semaphore(%arg16 : memref<!tpu.dma_semaphore, #tpu.memory_space<semaphore_mem>>) src(%dma_wait3A_372 : memref<1000x1000xf32, #tpu.memory_space<hbm>>) dst(%arg13 : memref<32x1000xf32, #tpu.memory_space<vmem>>)
      %mul3A_373 = arith.constant 32 : i32
      %mul3A_374 = arith.muli %add3A_366, %mul3A_373 : i32
      %add3A_375 = arith.addi %mul3A_2, %mul3A_374 : i32
      %dma_start3A_376 = arith.constant 0 : i32
      %dma_start3A_377 = tpu.memref_slice %arg6[%add3A_375, %dma_start3A_376] : memref<51200x1000xf32, #tpu.memory_space<hbm>> -> memref<32x1000xf32, #tpu.memory_space<hbm>>
      %dma_start3A_378 = arith.constant 0 : i32
      %dma_start3A_379 = tpu.memref_slice %arg6[%add3A_375, %dma_start3A_378] : memref<51200x1000xf32, #tpu.memory_space<hbm>> -> memref<32x1000xf32, #tpu.memory_space<hbm>>
      tpu.enqueue_dma source(%arg13 : memref<32x1000xf32, #tpu.memory_space<vmem>>) target(%dma_start3A_379 : memref<32x1000xf32, #tpu.memory_space<hbm>>) target_semaphore(%arg19 : memref<!tpu.dma_semaphore, #tpu.memory_space<semaphore_mem>>)
      %sub3A_380 = arith.constant 1 : i32
      %sub3A_381 = arith.subi %add3A_366, %sub3A_380 : i32
      %mul3A_382 = arith.constant 32 : i32
      %mul3A_383 = arith.muli %sub3A_381, %mul3A_382 : i32
      %add3A_384 = arith.addi %mul3A_2, %mul3A_383 : i32
      %dma_wait3A_385 = arith.constant 0 : i32
      %dma_wait3A_386 = tpu.memref_slice %arg6[%add3A_384, %dma_wait3A_385] : memref<51200x1000xf32, #tpu.memory_space<hbm>> -> memref<32x1000xf32, #tpu.memory_space<hbm>>
      %dma_wait3A_387 = arith.constant 0 : i32
      %dma_wait3A_388 = tpu.memref_slice %arg6[%add3A_384, %dma_wait3A_387] : memref<51200x1000xf32, #tpu.memory_space<hbm>> -> memref<32x1000xf32, #tpu.memory_space<hbm>>
      tpu.wait_dma2 semaphore(%arg18 : memref<!tpu.dma_semaphore, #tpu.memory_space<semaphore_mem>>) src(%arg12 : memref<32x1000xf32, #tpu.memory_space<vmem>>) dst(%dma_wait3A_388 : memref<32x1000xf32, #tpu.memory_space<hbm>>)
      %add3A_389 = arith.constant 2 : i32
      %add3A_390 = arith.addi %add3A_366, %add3A_389 : i32
      %mul3A_391 = arith.constant 32 : i32
      %mul3A_392 = arith.muli %add3A_390, %mul3A_391 : i32
      %dma_start3A_393 = tpu.memref_slice %arg8[%mul3A_392] : memref<1600xi32, #tpu.memory_space<vmem>> -> memref<32xi32, #tpu.memory_space<vmem>>
      %dma_start3A_394 = arith.constant 0 : i32
      %dma_start3A_395 = arith.constant 0 : i32
      %dma_start3A_396 = tpu.memref_slice %arg2[%dma_start3A_394, %dma_start3A_395] : memref<1000x1000xf32, #tpu.memory_space<hbm>> -> memref<1000x1000xf32, #tpu.memory_space<hbm>>
      tpu.enqueue_indirect_dma source(%dma_start3A_396 : memref<1000x1000xf32, #tpu.memory_space<hbm>>) target(%arg12 : memref<32x1000xf32, #tpu.memory_space<vmem>>) offsets(%dma_start3A_393 : memref<32xi32, #tpu.memory_space<vmem>>) semaphore(%arg15 : memref<!tpu.dma_semaphore, #tpu.memory_space<semaphore_mem>>)
      %iota3A_397 = tpu.iota {dimensions = array<i32: 0>} : vector<16xi32>
      %mul3A_398 = arith.constant 32 : i32
      %mul3A_399 = arith.muli %add3A_366, %mul3A_398 : i32
      %add3A_400 = arith.constant 0 : i32
      %add3A_401 = arith.addi %mul3A_399, %add3A_400 : i32
      %get3A_402 = arith.index_cast %add3A_401 : i32 to index
      %get3A_403 = tpu.vector_load %arg8[%get3A_402] {strides = array<i32>} : memref<1600xi32, #tpu.memory_space<vmem>>, vector<16xi32>,
      %gather3A_404 = tpu.vector_load_idx %arg10[%get3A_403] : memref<1000xf32, #tpu.memory_space<vmem>>[vector<16xi32>], vector<16xf32>,
      %add3A_405 = arith.constant 0 : i32
      %add3A_406 = vector.broadcast %add3A_405 : i32 to vector<16xi32>
      %add3A_407 = arith.addi %add3A_406, %iota3A_397 : vector<16xi32>
      %get3A_408 = arith.index_cast %add3A_401 : i32 to index
      %get3A_409 = tpu.vector_load %arg9[%get3A_408] {strides = array<i32>} : memref<1600xi32, #tpu.memory_space<vmem>>, vector<16xi32>,
      %gather3A_410 = tpu.vector_load_idx %arg13[%add3A_407, %get3A_409] : memref<32x1000xf32, #tpu.memory_space<vmem>>[vector<16xi32>, vector<16xi32>], vector<16xf32>,
      %sub3A_411 = arith.subf %gather3A_404, %gather3A_410 : vector<16xf32>
      %add3A_412 = arith.addf %add3A_362, %sub3A_411 : vector<16xf32>
      %mul3A_413 = arith.constant 32 : i32
      %mul3A_414 = arith.muli %add3A_366, %mul3A_413 : i32
      %add3A_415 = arith.constant 16 : i32
      %add3A_416 = arith.addi %mul3A_414, %add3A_415 : i32
      %get3A_417 = arith.index_cast %add3A_416 : i32 to index
      %get3A_418 = tpu.vector_load %arg8[%get3A_417] {strides = array<i32>} : memref<1600xi32, #tpu.memory_space<vmem>>, vector<16xi32>,
      %gather3A_419 = tpu.vector_load_idx %arg10[%get3A_418] : memref<1000xf32, #tpu.memory_space<vmem>>[vector<16xi32>], vector<16xf32>,
      %add3A_420 = arith.constant 16 : i32
      %add3A_421 = vector.broadcast %add3A_420 : i32 to vector<16xi32>
      %add3A_422 = arith.addi %add3A_421, %iota3A_397 : vector<16xi32>
      %get3A_423 = arith.index_cast %add3A_416 : i32 to index
      %get3A_424 = tpu.vector_load %arg9[%get3A_423] {strides = array<i32>} : memref<1600xi32, #tpu.memory_space<vmem>>, vector<16xi32>,
      %gather3A_425 = tpu.vector_load_idx %arg13[%add3A_422, %get3A_424] : memref<32x1000xf32, #tpu.memory_space<vmem>>[vector<16xi32>, vector<16xi32>], vector<16xf32>,
      %sub3A_426 = arith.subf %gather3A_419, %gather3A_425 : vector<16xf32>
      %add3A_427 = arith.addf %add3A_412, %sub3A_426 : vector<16xf32>
      scf.yield %add3A_427 : vector<16xf32>
    }
    %scan3A_96 = arith.constant 15 : i32
    %dma_wait3A_97 = arith.constant 1504 : i32
    %dma_wait3A_98 = tpu.memref_slice %arg8[%dma_wait3A_97] : memref<1600xi32, #tpu.memory_space<vmem>> -> memref<32xi32, #tpu.memory_space<vmem>>
    %dma_wait3A_99 = arith.constant 0 : i32
    %dma_wait3A_100 = arith.constant 0 : i32
    %dma_wait3A_101 = tpu.memref_slice %arg2[%dma_wait3A_99, %dma_wait3A_100] : memref<1000x1000xf32, #tpu.memory_space<hbm>> -> memref<1000x1000xf32, #tpu.memory_space<hbm>>
    tpu.wait_indirect_dma semaphore(%arg17 : memref<!tpu.dma_semaphore, #tpu.memory_space<semaphore_mem>>) src(%dma_wait3A_101 : memref<1000x1000xf32, #tpu.memory_space<hbm>>) dst(%arg14 : memref<32x1000xf32, #tpu.memory_space<vmem>>)
    %add3A_102 = arith.constant 1504 : i32
    %add3A_103 = arith.addi %mul3A_2, %add3A_102 : i32
    %dma_start3A_104 = arith.constant 0 : i32
    %dma_start3A_105 = tpu.memref_slice %arg6[%add3A_103, %dma_start3A_104] : memref<51200x1000xf32, #tpu.memory_space<hbm>> -> memref<32x1000xf32, #tpu.memory_space<hbm>>
    %dma_start3A_106 = arith.constant 0 : i32
    %dma_start3A_107 = tpu.memref_slice %arg6[%add3A_103, %dma_start3A_106] : memref<51200x1000xf32, #tpu.memory_space<hbm>> -> memref<32x1000xf32, #tpu.memory_space<hbm>>
    tpu.enqueue_dma source(%arg14 : memref<32x1000xf32, #tpu.memory_space<vmem>>) target(%dma_start3A_107 : memref<32x1000xf32, #tpu.memory_space<hbm>>) target_semaphore(%arg20 : memref<!tpu.dma_semaphore, #tpu.memory_space<semaphore_mem>>)
    %iota3A_108 = tpu.iota {dimensions = array<i32: 0>} : vector<16xi32>
    %get3A_109 = arith.constant 1504 : index
    %get3A_110 = tpu.vector_load %arg8[%get3A_109] {strides = array<i32>} : memref<1600xi32, #tpu.memory_space<vmem>>, vector<16xi32>,
    %gather3A_111 = tpu.vector_load_idx %arg10[%get3A_110] : memref<1000xf32, #tpu.memory_space<vmem>>[vector<16xi32>], vector<16xf32>,
    %add3A_112 = arith.constant 0 : i32
    %add3A_113 = vector.broadcast %add3A_112 : i32 to vector<16xi32>
    %add3A_114 = arith.addi %add3A_113, %iota3A_108 : vector<16xi32>
    %get3A_115 = arith.constant 1504 : index
    %get3A_116 = tpu.vector_load %arg9[%get3A_115] {strides = array<i32>} : memref<1600xi32, #tpu.memory_space<vmem>>, vector<16xi32>,
    %gather3A_117 = tpu.vector_load_idx %arg14[%add3A_114, %get3A_116] : memref<32x1000xf32, #tpu.memory_space<vmem>>[vector<16xi32>, vector<16xi32>], vector<16xf32>,
    %sub3A_118 = arith.subf %gather3A_111, %gather3A_117 : vector<16xf32>
    %add3A_119 = arith.addf %scan3A_95, %sub3A_118 : vector<16xf32>
    %get3A_120 = arith.constant 1520 : index
    %get3A_121 = tpu.vector_load %arg8[%get3A_120] {strides = array<i32>} : memref<1600xi32, #tpu.memory_space<vmem>>, vector<16xi32>,
    %gather3A_122 = tpu.vector_load_idx %arg10[%get3A_121] : memref<1000xf32, #tpu.memory_space<vmem>>[vector<16xi32>], vector<16xf32>,
    %add3A_123 = arith.constant 16 : i32
    %add3A_124 = vector.broadcast %add3A_123 : i32 to vector<16xi32>
    %add3A_125 = arith.addi %add3A_124, %iota3A_108 : vector<16xi32>
    %get3A_126 = arith.constant 1520 : index
    %get3A_127 = tpu.vector_load %arg9[%get3A_126] {strides = array<i32>} : memref<1600xi32, #tpu.memory_space<vmem>>, vector<16xi32>,
    %gather3A_128 = tpu.vector_load_idx %arg14[%add3A_125, %get3A_127] : memref<32x1000xf32, #tpu.memory_space<vmem>>[vector<16xi32>, vector<16xi32>], vector<16xf32>,
    %sub3A_129 = arith.subf %gather3A_122, %gather3A_128 : vector<16xf32>
    %add3A_130 = arith.addf %add3A_119, %sub3A_129 : vector<16xf32>
    %add3A_131 = arith.constant 1472 : i32
    %add3A_132 = arith.addi %mul3A_2, %add3A_131 : i32
    %dma_wait3A_133 = arith.constant 0 : i32
    %dma_wait3A_134 = tpu.memref_slice %arg6[%add3A_132, %dma_wait3A_133] : memref<51200x1000xf32, #tpu.memory_space<hbm>> -> memref<32x1000xf32, #tpu.memory_space<hbm>>
    %dma_wait3A_135 = arith.constant 0 : i32
    %dma_wait3A_136 = tpu.memref_slice %arg6[%add3A_132, %dma_wait3A_135] : memref<51200x1000xf32, #tpu.memory_space<hbm>> -> memref<32x1000xf32, #tpu.memory_space<hbm>>
    tpu.wait_dma2 semaphore(%arg19 : memref<!tpu.dma_semaphore, #tpu.memory_space<semaphore_mem>>) src(%arg13 : memref<32x1000xf32, #tpu.memory_space<vmem>>) dst(%dma_wait3A_136 : memref<32x1000xf32, #tpu.memory_space<hbm>>)
    %dma_start3A_137 = arith.constant 1568 : i32
    %dma_start3A_138 = tpu.memref_slice %arg8[%dma_start3A_137] : memref<1600xi32, #tpu.memory_space<vmem>> -> memref<32xi32, #tpu.memory_space<vmem>>
    %dma_start3A_139 = arith.constant 0 : i32
    %dma_start3A_140 = arith.constant 0 : i32
    %dma_start3A_141 = tpu.memref_slice %arg2[%dma_start3A_139, %dma_start3A_140] : memref<1000x1000xf32, #tpu.memory_space<hbm>> -> memref<1000x1000xf32, #tpu.memory_space<hbm>>
    tpu.enqueue_indirect_dma source(%dma_start3A_141 : memref<1000x1000xf32, #tpu.memory_space<hbm>>) target(%arg13 : memref<32x1000xf32, #tpu.memory_space<vmem>>) offsets(%dma_start3A_138 : memref<32xi32, #tpu.memory_space<vmem>>) semaphore(%arg16 : memref<!tpu.dma_semaphore, #tpu.memory_space<semaphore_mem>>)
    %dma_wait3A_142 = arith.constant 1536 : i32
    %dma_wait3A_143 = tpu.memref_slice %arg8[%dma_wait3A_142] : memref<1600xi32, #tpu.memory_space<vmem>> -> memref<32xi32, #tpu.memory_space<vmem>>
    %dma_wait3A_144 = arith.constant 0 : i32
    %dma_wait3A_145 = arith.constant 0 : i32
    %dma_wait3A_146 = tpu.memref_slice %arg2[%dma_wait3A_144, %dma_wait3A_145] : memref<1000x1000xf32, #tpu.memory_space<hbm>> -> memref<1000x1000xf32, #tpu.memory_space<hbm>>
    tpu.wait_indirect_dma semaphore(%arg15 : memref<!tpu.dma_semaphore, #tpu.memory_space<semaphore_mem>>) src(%dma_wait3A_146 : memref<1000x1000xf32, #tpu.memory_space<hbm>>) dst(%arg12 : memref<32x1000xf32, #tpu.memory_space<vmem>>)
    %add3A_147 = arith.constant 1536 : i32
    %add3A_148 = arith.addi %mul3A_2, %add3A_147 : i32
    %dma_start3A_149 = arith.constant 0 : i32
    %dma_start3A_150 = tpu.memref_slice %arg6[%add3A_148, %dma_start3A_149] : memref<51200x1000xf32, #tpu.memory_space<hbm>> -> memref<32x1000xf32, #tpu.memory_space<hbm>>
    %dma_start3A_151 = arith.constant 0 : i32
    %dma_start3A_152 = tpu.memref_slice %arg6[%add3A_148, %dma_start3A_151] : memref<51200x1000xf32, #tpu.memory_space<hbm>> -> memref<32x1000xf32, #tpu.memory_space<hbm>>
    tpu.enqueue_dma source(%arg12 : memref<32x1000xf32, #tpu.memory_space<vmem>>) target(%dma_start3A_152 : memref<32x1000xf32, #tpu.memory_space<hbm>>) target_semaphore(%arg18 : memref<!tpu.dma_semaphore, #tpu.memory_space<semaphore_mem>>)
    %iota3A_153 = tpu.iota {dimensions = array<i32: 0>} : vector<16xi32>
    %get3A_154 = arith.constant 1536 : index
    %get3A_155 = tpu.vector_load %arg8[%get3A_154] {strides = array<i32>} : memref<1600xi32, #tpu.memory_space<vmem>>, vector<16xi32>,
    %gather3A_156 = tpu.vector_load_idx %arg10[%get3A_155] : memref<1000xf32, #tpu.memory_space<vmem>>[vector<16xi32>], vector<16xf32>,
    %add3A_157 = arith.constant 0 : i32
    %add3A_158 = vector.broadcast %add3A_157 : i32 to vector<16xi32>
    %add3A_159 = arith.addi %add3A_158, %iota3A_153 : vector<16xi32>
    %get3A_160 = arith.constant 1536 : index
    %get3A_161 = tpu.vector_load %arg9[%get3A_160] {strides = array<i32>} : memref<1600xi32, #tpu.memory_space<vmem>>, vector<16xi32>,
    %gather3A_162 = tpu.vector_load_idx %arg12[%add3A_159, %get3A_161] : memref<32x1000xf32, #tpu.memory_space<vmem>>[vector<16xi32>, vector<16xi32>], vector<16xf32>,
    %sub3A_163 = arith.subf %gather3A_156, %gather3A_162 : vector<16xf32>
    %add3A_164 = arith.addf %add3A_130, %sub3A_163 : vector<16xf32>
    %get3A_165 = arith.constant 1552 : index
    %get3A_166 = tpu.vector_load %arg8[%get3A_165] {strides = array<i32>} : memref<1600xi32, #tpu.memory_space<vmem>>, vector<16xi32>,
    %gather3A_167 = tpu.vector_load_idx %arg10[%get3A_166] : memref<1000xf32, #tpu.memory_space<vmem>>[vector<16xi32>], vector<16xf32>,
    %add3A_168 = arith.constant 16 : i32
    %add3A_169 = vector.broadcast %add3A_168 : i32 to vector<16xi32>
    %add3A_170 = arith.addi %add3A_169, %iota3A_153 : vector<16xi32>
    %get3A_171 = arith.constant 1552 : index
    %get3A_172 = tpu.vector_load %arg9[%get3A_171] {strides = array<i32>} : memref<1600xi32, #tpu.memory_space<vmem>>, vector<16xi32>,
    %gather3A_173 = tpu.vector_load_idx %arg12[%add3A_170, %get3A_172] : memref<32x1000xf32, #tpu.memory_space<vmem>>[vector<16xi32>, vector<16xi32>], vector<16xf32>,
    %sub3A_174 = arith.subf %gather3A_167, %gather3A_173 : vector<16xf32>
    %add3A_175 = arith.addf %add3A_164, %sub3A_174 : vector<16xf32>
    %add3A_176 = arith.constant 1504 : i32
    %add3A_177 = arith.addi %mul3A_2, %add3A_176 : i32
    %dma_wait3A_178 = arith.constant 0 : i32
    %dma_wait3A_179 = tpu.memref_slice %arg6[%add3A_177, %dma_wait3A_178] : memref<51200x1000xf32, #tpu.memory_space<hbm>> -> memref<32x1000xf32, #tpu.memory_space<hbm>>
    %dma_wait3A_180 = arith.constant 0 : i32
    %dma_wait3A_181 = tpu.memref_slice %arg6[%add3A_177, %dma_wait3A_180] : memref<51200x1000xf32, #tpu.memory_space<hbm>> -> memref<32x1000xf32, #tpu.memory_space<hbm>>
    tpu.wait_dma2 semaphore(%arg20 : memref<!tpu.dma_semaphore, #tpu.memory_space<semaphore_mem>>) src(%arg14 : memref<32x1000xf32, #tpu.memory_space<vmem>>) dst(%dma_wait3A_181 : memref<32x1000xf32, #tpu.memory_space<hbm>>)
    %dma_wait3A_182 = arith.constant 1568 : i32
    %dma_wait3A_183 = tpu.memref_slice %arg8[%dma_wait3A_182] : memref<1600xi32, #tpu.memory_space<vmem>> -> memref<32xi32, #tpu.memory_space<vmem>>
    %dma_wait3A_184 = arith.constant 0 : i32
    %dma_wait3A_185 = arith.constant 0 : i32
    %dma_wait3A_186 = tpu.memref_slice %arg2[%dma_wait3A_184, %dma_wait3A_185] : memref<1000x1000xf32, #tpu.memory_space<hbm>> -> memref<1000x1000xf32, #tpu.memory_space<hbm>>
    tpu.wait_indirect_dma semaphore(%arg16 : memref<!tpu.dma_semaphore, #tpu.memory_space<semaphore_mem>>) src(%dma_wait3A_186 : memref<1000x1000xf32, #tpu.memory_space<hbm>>) dst(%arg13 : memref<32x1000xf32, #tpu.memory_space<vmem>>)
    %add3A_187 = arith.constant 1568 : i32
    %add3A_188 = arith.addi %mul3A_2, %add3A_187 : i32
    %dma_start3A_189 = arith.constant 0 : i32
    %dma_start3A_190 = tpu.memref_slice %arg6[%add3A_188, %dma_start3A_189] : memref<51200x1000xf32, #tpu.memory_space<hbm>> -> memref<32x1000xf32, #tpu.memory_space<hbm>>
    %dma_start3A_191 = arith.constant 0 : i32
    %dma_start3A_192 = tpu.memref_slice %arg6[%add3A_188, %dma_start3A_191] : memref<51200x1000xf32, #tpu.memory_space<hbm>> -> memref<32x1000xf32, #tpu.memory_space<hbm>>
    tpu.enqueue_dma source(%arg13 : memref<32x1000xf32, #tpu.memory_space<vmem>>) target(%dma_start3A_192 : memref<32x1000xf32, #tpu.memory_space<hbm>>) target_semaphore(%arg19 : memref<!tpu.dma_semaphore, #tpu.memory_space<semaphore_mem>>)
    %iota3A_193 = tpu.iota {dimensions = array<i32: 0>} : vector<16xi32>
    %get3A_194 = arith.constant 1568 : index
    %get3A_195 = tpu.vector_load %arg8[%get3A_194] {strides = array<i32>} : memref<1600xi32, #tpu.memory_space<vmem>>, vector<16xi32>,
    %gather3A_196 = tpu.vector_load_idx %arg10[%get3A_195] : memref<1000xf32, #tpu.memory_space<vmem>>[vector<16xi32>], vector<16xf32>,
    %add3A_197 = arith.constant 0 : i32
    %add3A_198 = vector.broadcast %add3A_197 : i32 to vector<16xi32>
    %add3A_199 = arith.addi %add3A_198, %iota3A_193 : vector<16xi32>
    %get3A_200 = arith.constant 1568 : index
    %get3A_201 = tpu.vector_load %arg9[%get3A_200] {strides = array<i32>} : memref<1600xi32, #tpu.memory_space<vmem>>, vector<16xi32>,
    %gather3A_202 = tpu.vector_load_idx %arg13[%add3A_199, %get3A_201] : memref<32x1000xf32, #tpu.memory_space<vmem>>[vector<16xi32>, vector<16xi32>], vector<16xf32>,
    %sub3A_203 = arith.subf %gather3A_196, %gather3A_202 : vector<16xf32>
    %add3A_204 = arith.addf %add3A_175, %sub3A_203 : vector<16xf32>
    %get3A_205 = arith.constant 1584 : index
    %get3A_206 = tpu.vector_load %arg8[%get3A_205] {strides = array<i32>} : memref<1600xi32, #tpu.memory_space<vmem>>, vector<16xi32>,
    %gather3A_207 = tpu.vector_load_idx %arg10[%get3A_206] : memref<1000xf32, #tpu.memory_space<vmem>>[vector<16xi32>], vector<16xf32>,
    %add3A_208 = arith.constant 16 : i32
    %add3A_209 = vector.broadcast %add3A_208 : i32 to vector<16xi32>
    %add3A_210 = arith.addi %add3A_209, %iota3A_193 : vector<16xi32>
    %get3A_211 = arith.constant 1584 : index
    %get3A_212 = tpu.vector_load %arg9[%get3A_211] {strides = array<i32>} : memref<1600xi32, #tpu.memory_space<vmem>>, vector<16xi32>,
    %gather3A_213 = tpu.vector_load_idx %arg13[%add3A_210, %get3A_212] : memref<32x1000xf32, #tpu.memory_space<vmem>>[vector<16xi32>, vector<16xi32>], vector<16xf32>,
    %sub3A_214 = arith.subf %gather3A_207, %gather3A_213 : vector<16xf32>
    %add3A_215 = arith.addf %add3A_204, %sub3A_214 : vector<16xf32>
    %add3A_216 = arith.constant 1536 : i32
    %add3A_217 = arith.addi %mul3A_2, %add3A_216 : i32
    %dma_wait3A_218 = arith.constant 0 : i32
    %dma_wait3A_219 = tpu.memref_slice %arg6[%add3A_217, %dma_wait3A_218] : memref<51200x1000xf32, #tpu.memory_space<hbm>> -> memref<32x1000xf32, #tpu.memory_space<hbm>>
    %dma_wait3A_220 = arith.constant 0 : i32
    %dma_wait3A_221 = tpu.memref_slice %arg6[%add3A_217, %dma_wait3A_220] : memref<51200x1000xf32, #tpu.memory_space<hbm>> -> memref<32x1000xf32, #tpu.memory_space<hbm>>
    tpu.wait_dma2 semaphore(%arg18 : memref<!tpu.dma_semaphore, #tpu.memory_space<semaphore_mem>>) src(%arg12 : memref<32x1000xf32, #tpu.memory_space<vmem>>) dst(%dma_wait3A_221 : memref<32x1000xf32, #tpu.memory_space<hbm>>)
    %add3A_222 = arith.constant 1568 : i32
    %add3A_223 = arith.addi %mul3A_2, %add3A_222 : i32
    %dma_wait3A_224 = arith.constant 0 : i32
    %dma_wait3A_225 = tpu.memref_slice %arg6[%add3A_223, %dma_wait3A_224] : memref<51200x1000xf32, #tpu.memory_space<hbm>> -> memref<32x1000xf32, #tpu.memory_space<hbm>>
    %dma_wait3A_226 = arith.constant 0 : i32
    %dma_wait3A_227 = tpu.memref_slice %arg6[%add3A_223, %dma_wait3A_226] : memref<51200x1000xf32, #tpu.memory_space<hbm>> -> memref<32x1000xf32, #tpu.memory_space<hbm>>
    tpu.wait_dma2 semaphore(%arg19 : memref<!tpu.dma_semaphore, #tpu.memory_space<semaphore_mem>>) src(%arg13 : memref<32x1000xf32, #tpu.memory_space<vmem>>) dst(%dma_wait3A_227 : memref<32x1000xf32, #tpu.memory_space<hbm>>)
    %swap3A = arith.constant 0 : index
    %swap3A_228 = tpu.vector_load %arg11[%swap3A] {strides = array<i32>} : memref<16xf32, #tpu.memory_space<vmem>>, vector<16xf32>,
    tpu.vector_store %arg11[%swap3A], %add3A_215 {strides = array<i32>} : memref<16xf32, #tpu.memory_space<vmem>>, vector<16xf32>,
    %mul3A_229 = arith.constant 16 : i32
    %mul3A_230 = arith.muli %add3A, %mul3A_229 : i32
    "tpu.region"() ({
      %run_scoped3A = tpu.sem_alloc : memref<!tpu.dma_semaphore, #tpu.memory_space<semaphore_mem>>
      %dma_start3A_231 = tpu.memref_slice %arg7[%mul3A_230] : memref<512xf32, #tpu.memory_space<hbm>> -> memref<16xf32, #tpu.memory_space<hbm>>
      %dma_start3A_232 = tpu.memref_slice %arg7[%mul3A_230] : memref<512xf32, #tpu.memory_space<hbm>> -> memref<16xf32, #tpu.memory_space<hbm>>
      tpu.enqueue_dma source(%arg11 : memref<16xf32, #tpu.memory_space<vmem>>) target(%dma_start3A_232 : memref<16xf32, #tpu.memory_space<hbm>>) target_semaphore(%run_scoped3A : memref<!tpu.dma_semaphore, #tpu.memory_space<semaphore_mem>>)
      %dma_wait3A_233 = tpu.memref_slice %arg7[%mul3A_230] : memref<512xf32, #tpu.memory_space<hbm>> -> memref<16xf32, #tpu.memory_space<hbm>>
      %dma_wait3A_234 = tpu.memref_slice %arg7[%mul3A_230] : memref<512xf32, #tpu.memory_space<hbm>> -> memref<16xf32, #tpu.memory_space<hbm>>
      tpu.wait_dma2 semaphore(%run_scoped3A : memref<!tpu.dma_semaphore, #tpu.memory_space<semaphore_mem>>) src(%arg11 : memref<16xf32, #tpu.memory_space<vmem>>) dst(%dma_wait3A_234 : memref<16xf32, #tpu.memory_space<hbm>>)
      tpu.yield
    }) : () -> ()
    return
  }
}

module attributes {stable_mosaic.version = 14 : i64} {
  func.func @_lse_body(%arg0: memref<1000x1000xf32, #tpu.memory_space<vmem>>, %arg1: memref<1000xf32, #tpu.memory_space<vmem>>) attributes {dimension_semantics = [], scalar_prefetch = 0 : i64, scratch_operands = 0 : i64, tpu.core_type = #tpu.core_type<tc>} {
    %get3A = arith.constant 0 : index
    %get3A_0 = arith.constant 0 : index
    %get3A_1 = vector.load %arg0[%get3A, %get3A_0] : memref<1000x1000xf32, #tpu.memory_space<vmem>>, vector<1000x1000xf32>
    %reduce_max3A = arith.constant dense<0xFF800000> : vector<1000xf32>
    %reduce_max3A_2 = vector.multi_reduction <maximumf>, %get3A_1, %reduce_max3A [1] : vector<1000x1000xf32> to vector<1000xf32>
    %broadcast_in_dim3A = vector.shape_cast %reduce_max3A_2 : vector<1000xf32> to vector<1000x1xf32>
    %sub3A = vector.broadcast %broadcast_in_dim3A : vector<1000x1xf32> to vector<1000x1000xf32>
    %sub3A_3 = arith.subf %get3A_1, %sub3A : vector<1000x1000xf32>
    %exp3A = math.exp %sub3A_3 : vector<1000x1000xf32>
    %reduce_sum3A = arith.constant dense<0.000000e+00> : vector<1000xf32>
    %reduce_sum3A_4 = vector.multi_reduction <add>, %exp3A, %reduce_sum3A [1] : vector<1000x1000xf32> to vector<1000xf32>
    %log3A = math.log %reduce_sum3A_4 : vector<1000xf32>
    %add3A = arith.addf %log3A, %reduce_max3A_2 : vector<1000xf32>
    %swap3A = arith.constant 0 : index
    %swap3A_5 = vector.load %arg1[%swap3A] : memref<1000xf32, #tpu.memory_space<vmem>>, vector<1000xf32>
    tpu.vector_store %arg1[%swap3A], %add3A {strides = array<i32>} : memref<1000xf32, #tpu.memory_space<vmem>>, vector<1000xf32>,
    return
  }
}

module attributes {stable_mosaic.version = 14 : i64} {
  func.func @_sum_body(%arg0: memref<512xf32, #tpu.memory_space<vmem>>, %arg1: memref<1x1xf32, #tpu.memory_space<vmem>>) attributes {dimension_semantics = [], scalar_prefetch = 0 : i64, scratch_operands = 0 : i64, tpu.core_type = #tpu.core_type<tc>} {
    %get3A = arith.constant 0 : index
    %get3A_0 = vector.load %arg0[%get3A] : memref<512xf32, #tpu.memory_space<vmem>>, vector<512xf32>
    %reduce_sum3A = vector.shape_cast %get3A_0 : vector<512xf32> to vector<1x512xf32>
    %reduce_sum3A_1 = arith.constant dense<0.000000e+00> : vector<1xf32>
    %reduce_sum3A_2 = vector.multi_reduction <add>, %reduce_sum3A, %reduce_sum3A_1 [1] : vector<1x512xf32> to vector<1xf32>
    %reduce_sum3A_3 = vector.shape_cast %reduce_sum3A_2 : vector<1xf32> to vector<1x1xf32>
    %reduce_sum3A_4 = vector.extract %reduce_sum3A_3[0, 0] : f32 from vector<1x1xf32>
    %div3A = arith.constant 5.120000e+04 : f32
    %div3A_5 = arith.divf %reduce_sum3A_4, %div3A : f32
    %reshape3A = vector.broadcast %div3A_5 : f32 to vector<1x1xf32>
    %swap3A = arith.constant 0 : index
    %swap3A_6 = arith.constant 0 : index
    %swap3A_7 = vector.load %arg1[%swap3A, %swap3A_6] : memref<1x1xf32, #tpu.memory_space<vmem>>, vector<1x1xf32>
    tpu.vector_store %arg1[%swap3A, %swap3A_6], %reshape3A {strides = array<i32>} : memref<1x1xf32, #tpu.memory_space<vmem>>, vector<1x1xf32>,
    return
  }
}

</mosaic_0001>

<sc_bundles>
// kernel: kernel.5.cloned.1.call-start
scs
__scs_entry_jumppad:
0x0: {  	(pc) =	sbr.rel $0x88, $3  }
0x1: {  	(tag) =	ssettag $0x0;
	lr =	simm.s32 $0x1  }
0x2: {  	[smem:$0x3F9E] =	sst lr;
	_ =	strace $0xD0000000  }
0x3: {  	_ = 	snop  }
0x4: {  	_ = 	snop  }
0x5: {  	_ = 	snop  }
0x6: {  	_ = 	snop  }
0x7: {  	_ = 	snop  }
__scs_overlays_trampoline_lowered:
0x8: {  	[smem:$0x3FAD] =	sst s0  }
0x9: {  	[smem:$0x3FAE] =	sst s1  }
0xa: {  	[smem:$0x3FAF] =	sst s2  }
0xb: {  	[smem:$0x3FB0] =	sst s3  }
0xc: {  	[smem:$0x3FB1] =	sst s4  }
0xd: {  	[smem:$0x3FB2] =	sst s5  }
0xe: {  	[smem:$0x3FB3] =	sst s6  }
0xf: {  	[smem:$0x3FB4] =	sst s7  }
0x10: {  	[smem:$0x3FB5] =	sst s8  }
0x11: {  	[smem:$0x3FB6] =	sst s9;
	s0 =	simm.s32 @!p0 $0x0  }
0x12: {  	s1 =	sld [smem:$0x3F9C];
	s0 =	simm.s32 @p0 $0x1  }
0x13: {  	[smem:$0x3FB7] =	sst s0;
	s0 =	simm.s32 @!p1 $0x0  }
0x14: {  	s2 =	sld [smem:$0x3F9B];
	s0 =	simm.s32 @p1 $0x1  }
0x15: {  	[smem:$0x3FB8] =	sst s0;
	s0 =	simm.s32 @!p2 $0x0  }
0x16: {  	s3 =	sld [smem:$0x3FDB];
	s0 =	simm.s32 @p2 $0x1  }
0x17: {  	s4 =	simm.s32 $0x1BF5;
	[smem:$0x3FBA] =	sst s0  }
0x18: {  	s0 =	sld [smem:$0x3F9D];
	_ =	swait.ge [sflag:s4], $0x0  }
0x19: {  	s7 =	sld [smem:$0x3F9E]  }
0x1a: {  	s8 =	sadd.s32 $0xFFFFE003, lr  }
0x1b: {  	s9 =	sadd.s32 $0xFFFFFEF7, lr;
	s5 =	simm.s32 $0xFFFFFFFF;
	p2 =	slt.u32 s8, $0xFFFFF086  }
0x1c: {  	p1 =	slt.u32 s9, $0xF7A;
	s5 =	simm.s32 @!p2 $0x0  }
0x1d: {  	s5 =	simm.s32 @p1 $0x1;
	p0 =	seq.s32 s7, s2  }
0x1e: {  	s7 =	smul.u32 @!p0 $0xF7A, s2;
	p2 =	seq.s32 @!p0 s5, $0x0  }
0x1f: {  	s9 =	smul.u32 $0xF7A, s1;
	s8 =	simm.s32 @!p0 $0x1BF5;
	p2 =	por !p2, p0  }
0x20: {  	[sflag:s8] =	ssyncset.s32 @!p0 $0xFFFFF086;
	s6 =	sadd.s32 @!p0 s3, s7;
	s7 =	simm.s32 @!p0 $0x108  }
0x21: {  	s3 =	sadd.s32 s3, s9;
	s6 =	sadd.s32 @!p0 $0x88, s6;
	s7 =	simm.s32 @p2 $0x1082  }
0x22: {  	[simem:s7], [sflag:s8] =	dma.local @!p0 [hbm:s6], $0xF7A  }
0x23: {  	s9 =	sor.u32 $0xD0000000, s2;
	s6 =	simm.s32 $0x108;
	_ =	swait.ge @!p0 [sflag:s8], $0x0  }
0x24: {  	s3 =	sadd.s32 $0x88, s3;
	s6 =	simm.s32 @!p1 $0x1082;
	[sflag:s4] =	ssyncset.s32 $0xFFFFF086  }
0x25: {  	[simem:s6], [sflag:s4] =	dma.local [hbm:s3], $0xF7A  }
0x26: {  	[smem:$0x3F9E] =	sst s1;
	(tag) =	ssettag s2;
	_ =	strace s9  }
0x27: {  	s1 =	sld [smem:$0x3FAE]  }
0x28: {  	s2 =	sld [smem:$0x3FAF]  }
0x29: {  	s4 =	sld [smem:$0x3FB1]  }
0x2a: {  	p0 =	seq.s32 s5, $0x0;
	s5 =	sld [smem:$0x3FB2]  }
0x2b: {  	s6 =	sld [smem:$0x3FB3]  }
0x2c: {  	s7 =	sld [smem:$0x3FB4]  }
0x2d: {  	s3 =	simm.s32 $0x108;
	s8 =	sld [smem:$0x3FB5]  }
0x2e: {  	s3 =	simm.s32 @!p0 $0x1082;
	s9 =	sld [smem:$0x3FB6]  }
0x2f: {  	lr =	sadd.s32 s0, s3;
	s0 =	sld [smem:$0x3FAD]  }
0x30: {  	s3 =	sld [smem:$0x3FB0]  }
0x31: {  	[smem:$0x3FB9] =	sst s10  }
0x32: {  	s10 =	sld [smem:$0x3FB7];
	_ =	sdelay $0x3  }
0x33: {  	p0 =	seq.s32 s10, $0x1;
	s10 =	sld [smem:$0x3FB9];
	_ =	sdelay $0x3  }
0x34: {  	[smem:$0x3FB9] =	sst s10  }
0x35: {  	s10 =	sld [smem:$0x3FB8];
	_ =	sdelay $0x3  }
0x36: {  	p1 =	seq.s32 s10, $0x1;
	s10 =	sld [smem:$0x3FB9];
	_ =	sdelay $0x3  }
0x37: {  	[smem:$0x3FB9] =	sst s10  }
0x38: {  	s10 =	sld [smem:$0x3FBA]  }
0x39: {  	_ = 	snop;
	(pc) =	sbr.ind lr, $3  }
0x3a: {  	_ = 	snop  }
0x3b: {  	_ = 	snop  }
0x3c: {  	p2 =	seq.s32 s10, $0x1;
	s10 =	sld [smem:$0x3FB9]  }
0x3d: {  	_ =	shalt  }
0x3e: {  	_ =	shalt  }
0x3f: {  	_ =	shalt  }
0x40: {  	_ =	shalt  }
0x41: {  	_ =	shalt  }
0x42: {  	_ =	shalt  }
0x43: {  	_ =	shalt  }
0x44: {  	_ =	shalt  }
0x45: {  	_ =	shalt  }
0x46: {  	_ =	shalt  }
0x47: {  	_ =	shalt  }
0x48: {  	_ =	shalt  }
0x49: {  	_ =	shalt  }
0x4a: {  	_ =	shalt  }
0x4b: {  	_ =	shalt  }
0x4c: {  	_ =	shalt  }
0x4d: {  	_ =	shalt  }
0x4e: {  	_ =	shalt  }
0x4f: {  	_ =	shalt  }
0x50: {  	_ =	shalt  }
0x51: {  	_ =	shalt  }
0x52: {  	_ =	shalt  }
0x53: {  	_ =	shalt  }
0x54: {  	_ =	shalt  }
0x55: {  	_ =	shalt  }
0x56: {  	_ =	shalt  }
0x57: {  	_ =	shalt  }
0x58: {  	_ =	shalt  }
0x59: {  	_ =	shalt  }
0x5a: {  	_ =	shalt  }
0x5b: {  	_ =	shalt  }
0x5c: {  	_ =	shalt  }
0x5d: {  	_ =	shalt  }
0x5e: {  	_ =	shalt  }
0x5f: {  	_ =	shalt  }
0x60: {  	_ =	shalt  }
0x61: {  	_ =	shalt  }
0x62: {  	_ =	shalt  }
0x63: {  	_ =	shalt  }
0x64: {  	_ =	shalt  }
0x65: {  	_ =	shalt  }
0x66: {  	_ =	shalt  }
0x67: {  	_ =	shalt  }
0x68: {  	_ =	shalt  }
0x69: {  	_ =	shalt  }
0x6a: {  	_ =	shalt  }
0x6b: {  	_ =	shalt  }
0x6c: {  	_ =	shalt  }
0x6d: {  	_ =	shalt  }
0x6e: {  	_ =	shalt  }
0x6f: {  	_ =	shalt  }
0x70: {  	_ =	shalt  }
0x71: {  	_ =	shalt  }
0x72: {  	_ =	shalt  }
0x73: {  	_ =	shalt  }
0x74: {  	_ =	shalt  }
0x75: {  	_ =	shalt  }
0x76: {  	_ =	shalt  }
0x77: {  	_ =	shalt  }
0x78: {  	_ =	shalt  }
0x79: {  	_ =	shalt  }
0x7a: {  	_ =	shalt  }
0x7b: {  	_ =	shalt  }
0x7c: {  	_ =	shalt  }
0x7d: {  	_ =	shalt  }
0x7e: {  	_ =	shalt  }
0x7f: {  	_ =	shalt  }
0x80: {  	_ =	shalt  }
0x81: {  	_ =	shalt  }
0x82: {  	_ =	shalt  }
0x83: {  	_ =	shalt  }
0x84: {  	_ =	shalt  }
0x85: {  	_ =	shalt  }
0x86: {  	_ =	shalt  }
0x87: {  	_ =	shalt  }
.Lfunc_end0:
.L_simem_size_0:
called_computation.1_lowered:
.L_overlay_start_0:
0x88: {  	s2 =	sld [smem:$0x3FD9]  }
0x89: {  	s3 =	sld [smem:$0x3FFE];
	_ =	sdelay $0x1  }
0x8a: {  	s1 =	srdreg.scid  }
0x8b: {  	s0 =	sand.u32 $0x1, s1  }
0x8c: {  	s14 =	sshll.u32 s0, $0xA;
	s2 =	sadd.s32 s3, s2  }
0x8d: {  	s2 =	sadd.s32 s2, s14  }
0x8e: {  	[smem:$0x3FC5] =	sst s2  }
0x8f: {  	_ = 	snop  }
0x90: {  	s2 =	sld [smem:$0x3FD0];
	_ =	sdelay $0x2  }
0x91: {  	s15 =	simm.s32 $0xA;
	s4 =	simm.s32 $0x10  }
0x92: {  	[smem:s4], [sflag:s15] =	dma.local [hbm:s2], $0x1  }
0x93: {  	_ =	swait.eq [sflag:s15], $0x1  }
0x94: {  	[sflag:s15] =	ssyncset.done $0x0  }
0x95: {  	[sflag:s15] =	ssyncadd.s32 $0xFFFFFFFF  }
0x96: {  	s16 =	sld [smem:$0x10];
	(tm) =	ssettm $0x1  }
0x97: {  	s17 =	sld [smem:$0x3FFB];
	_ =	sdelay $0x3  }
0x98: {  	_ =	strace s17  }
0x99: {  	s3 =	sld [smem:$0x3FFC];
	_ =	sdelay $0x3  }
0x9a: {  	_ =	strace s3  }
0x9b: {  	s3 =	sld [smem:$0x3FFD];
	_ =	sdelay $0x3  }
0x9c: {  	_ =	strace s3  }
0x9d: {  	_ =	strace $0x8FFFFFFF  }
0x9e: {  	s18 =	sld [smem:$0x3FDB];
	_ =	sdelay $0x1  }
0x9f: {  	s19 =	simm.s32 $_scs_section_size  }
0xa0: {  	s5 =	simm.s32 $_size__tile_overlayer_lowered;
	s6 =	simm.s32 $_tile_overlayer_lowered  }
0xa1: {  	s22 =	simm.s32 $0x1BFF;
	s21 =	sshll.u32 s6, $0x1;
	s3 =	sadd.s32 s19, s18  }
0xa2: {  	s7 =	simm.s32 $0x0;
	s20 =	sshll.u32 s5, $0x1;
	s5 =	sadd.s32 s21, s3  }
0xa3: {  	[timem:s7], [sflag:s22] =	dma.local [hbm:s5], s20  }
0xa4: {  	_ =	swait.ge [sflag:s22], s20  }
0xa5: {  	s4 =	ssub.s32 $0x0, s20;
	[sflag:s22] =	ssyncset.done $0x0  }
0xa6: {  	[sflag:s22] =	ssyncadd.s32 s4;
	_ =	sdelay $0x1  }
0xa7: {  	s23 =	simm.s32 $0x1B8B  }
0xa8: {  	_ =	swait.ge [sflag:s23], $0x1  }
0xa9: {  	[sflag:s23] =	ssyncset.done $0x0  }
0xaa: {  	s25 =	simm.s32 $0x1B8E;
	s24 =	sld [smem:$0x3FFE];
	[sflag:s23] =	ssyncadd.s32 $0xFFFFFFFF  }
0xab: {  	s26 =	simm.s32 $execute0_lowered;
	[smem:$0x3FD2] =	sst s25  }
0xac: {  	s5 =	sshll.u32 s26, $0x1;
	_ =	strace $0x80000046;
	[dreg:$0x1] =	wrdreg $0xFFFFFFFF  }
0xad: {  	s28 =	simm.s32 $_size_execute0_lowered;
	s3 =	sadd.s32 s3, s5;
	[dreg:$0x0] =	wrdreg $0x0  }
0xae: {  	s5 =	sshll.u32 s28, $0x1;
	[dreg:$0x2] =	wrdreg s3  }
0xaf: {  	[dreg:$0x3] =	wrdreg s5  }
0xb0: {  	[dreg:$0x4] =	wrdreg $0xC0  }
0xb1: {  	_ =	task [dreg:s7], $0x5FFFF  }
0xb2: {  	[dreg:$0x1] =	wrdreg $0xFFFFFFFF  }
0xb3: {  	[dreg:$0x0] =	wrdreg $0x60  }
0xb4: {  	[dreg:$0x2] =	wrdreg s24  }
0xb5: {  	[dreg:$0x3] =	wrdreg s16  }
0xb6: {  	[dreg:$0x4] =	wrdreg $0x9  }
0xb7: {  	_ =	task.clear_ibuf [dreg:s7], $0x5FFFF;
	_ =	strace $0x90000046  }
0xb8: {  	s29 =	simm.s32 $0x9;
	_ =	strace $0x80000048  }
0xb9: {  	_ =	swait.ge [sflag:s29], $0x1  }
0xba: {  	[sflag:s29] =	ssyncadd.s32 $0xFFFFFFFF  }
0xbb: {  	_ =	strace $0x90000048  }
0xbc: {  	_ =	sfence  }
0xbd: {  	s30 =	sld [smem:$0x0];
	_ =	sdelay $0x2  }
0xbe: {  	s31 =	sshll.u32 s1, $0xD;
	s1 =	sshrl.u32 s1, $0x2  }
0xbf: {  	s3 =	sand.u32 $0x4000, s31;
	s1 =	sadd.s32 s1, s30  }
0xc0: {  	s0 =	sor.u32 s3, s0;
	s1 =	sshll.u32 s1, $0x11  }
0xc1: {  	s0 =	sor.u32 s1, s0  }
0xc2: {  	s0 =	sadd.s32 $0x8F2B, s0  }
0xc3: {  	[sflag:s0] =	ssyncadd.remote.s32 $0x1  }
0xc4: {  	_ =	sfence.sel $0xFFFF  }
0xc5: {  	[dreg:$0x0] =	wrdreg $0xFFFFFFFF;
	(pc) =	sbr.abs _section_cstart, $3  }
0xc6: {  	[dreg:$0x1] =	wrdreg $0xFFFFFFFF  }
0xc7: {  	_ =	task.clear_ibuf [dreg:s7], $0x2FFFF;
	_ =	strace $0x9FFFFFFF  }
0xc8: {  	(tm) =	ssettm $0x7FFFFFFF  }
0xc9: {  	_ =	shalt  }
tec
execute0_lowered:
.L_overlay_start_1:
0x0: {  	(tag) =	ssettag $0x1  }
0x1: {  	s0 =	srdreg.scid  }
0x2: {  	s9 =	stileid.u32;
	s5 =	rddreg [dreg:$0x0]  }
0x3: {  	s10 =	rddreg [dreg:$0x1];
	s2 =	simm.s32 $0x0;
	s15 =	simm.s32 $0x7  }
0x4: {  	s17 =	simm.s32 $0xC80;
	s18 =	simm.s32 $0x20;
	s19 =	simm.s32 $0x1078  }
0x5: {  	s20 =	simm.s32 $0x8D78;
	s21 =	simm.s32 $0x1;
	s23 =	simm.s32 $0x10A78  }
0x6: {  	s28 =	simm.s32 $0x3;
	s29 =	simm.s32 $0x5;
	s0 =	sand.u32 $0x1, s0  }
0x7: {  	s1 =	sshll.u32 s9, $0x1;
	[smem:$0x7FF] =	sst s2;
	s11 =	smul.u32 $0x61A80, s9  }
0x8: {  	s1 =	sor.u32 s0, s1;
	s8 =	ssub.s32 $0x2, s0;
	s0 =	smul.u32 $0x30D40, s0  }
0x9: {  	s30 =	simm.s32 $0x6;
	_ =	strace $0x80000047;
	s3 =	smul.u32 $0x640, s1  }
0xa: {  	s7 =	sshll.u32 s1, $0x1;
	s24 =	sshrl.u32 s8, $0x1;
	s25 =	smul.u32 $0x186A00, s1  }
0xb: {  	s1 =	smul.u32 $0x30D40, s1;
	s14 =	sadd.s32 s11, s10;
	s12 =	sadd.s32 s7, s5  }
0xc: {  	s13 =	ssub.s32 s8, s24;
	s0 =	sadd.s32 s0, s14;
	s24 =	simm.s32 $0x2  }
0xd: {  	s4 =	sshrl.u32 s3, $0x3;
	s3 =	sadd.s32 $0x1400, s5;
	s26 =	sshrl.u32 s25, $0x3  }
0xe: {  	s7 =	sadd.s32 s10, s1;
	s12 =	sadd.s32 $0x23200, s12;
	s13 =	smax.u32 s13, $0x1  }
0xf: {  	v0 =	vlaneseq.u32;
	s25 =	simm.s32 $0x4;
	s6 =	sadd.s32 s4, s5;
	s4 =	sadd.s32 $0x1200, s5  }
0x10: {  	v0 =	vmul.u32 $0x3E8, v0;
	s31 =	sadd.s32 s10, s26;
	s26 =	sadd.s32 $0x1F40, s0;
	s0 =	simm.s32 $0x0  }
0x11: {  	s5 =	sadd.s32 $0x1FE00, s6;
	s6 =	sadd.s32 $0x21800, s6;
	s8 =	sadd.s32 $0xFA0, s31  }
0x12: {  	v1 =	vadd.s32 $0x3E80, v0;
	s9 =	sadd.s32 $0x2DE60, s31;
	s10 =	sadd.s32 $0x2EE00, s31;
	s11 =	sadd.s32 $0x2FDA0, s31  }
.LBB2_1:
0x13: {  	[tilespmem:s2], [sflag:$0x7] =	stream.linear.gather [hbm4b:s5+s2], $0x640, $0x38;
	[tilespmem:$0x18778] =	vst v63  }
0x14: {  	_ =	swait.ge [sflag:s15], $0x640  }
0x15: {  	[sflag:s15] =	ssyncset.done $0x0  }
0x16: {  	s1 =	simm.s32 $0x640;
	[sflag:s15] =	ssyncadd.s32 $0xFFFFF9C0  }
0x17: {  	[tilespmem:s1], [sflag:$0x7] =	stream.linear.gather [hbm4b:s6+s2], $0x640, $0x38;
	[tilespmem:$0x18778] =	vst v63  }
0x18: {  	_ =	swait.ge [sflag:s15], $0x640  }
0x19: {  	[sflag:s15] =	ssyncset.done $0x0  }
0x1a: {  	[sflag:s15] =	ssyncadd.s32 $0xFFFFF9C0  }
0x1b: {  	[tilespmem:s17], [sflag:$0x7] =	stream.linear.gather [hbm4b:s4+s2], $0x3E8, $0x38;
	[tilespmem:$0x18778] =	vst v63  }
0x1c: {  	_ =	swait.ge [sflag:s15], $0x3E8  }
0x1d: {  	[sflag:s15] =	ssyncset.done $0x0  }
0x1e: {  	[sflag:s15] =	ssyncadd.s32 $0xFFFFFC18  }
0x1f: {  	[tilespmem:s19], [sflag:$0x1] =	stream.indirect.gather [hbm4b:s3+s18], $0x3E8, s2, s18, $0xb8;
	[tilespmem:$0x18778] =	vst v63  }
0x20: {  	_ = 	snop  }
0x21: {  	[tilespmem:s20], [sflag:$0x2] =	stream.indirect.gather [hbm4b:s3+s18], $0x3E8, s18, s18, $0xb8;
	[tilespmem:$0x18778] =	vst v63  }
0x22: {  	_ =	swait.ge [sflag:s21], $0x7D00  }
0x23: {  	[sflag:s21] =	ssyncset.done $0x0  }
0x24: {  	[sflag:s21] =	ssyncadd.s32 $0xFFFF8300  }
0x25: {  	[hbm4b:s7+s2] =	stream.linear.scatter [tilespmem:s19], [sflag:$0x4], $0x7D00, $0x38;
	[tilespmem:$0x18778] =	vst v63  }
0x26: {  	v2 =	vld [tilespmem:$0x640]  }
0x27: {  	v3 =	vld [tilespmem:$0x0]  }
0x28: {  	v4 =	vld [tilespmem:$0x650]  }
0x29: {  	v5 =	vld [tilespmem:$0x10];
	_ =	sdelay $0x3  }
0x2a: {  	v2 =	vadd.s32 v0, v2  }
0x2b: {  	v4 =	vadd.s32 v1, v4;
	_ =	sdelay $0x1  }
0x2c: {  	v3 =	vld.idx.msk [tilespmem:v3+s17+$0x0], $0xffff  }
0x2d: {  	v5 =	vld.idx.msk [tilespmem:v5+s17+$0x0], $0xffff  }
0x2e: {  	s16 =	simm.s32 $0x40;
	v2 =	vld.idx.msk [tilespmem:v2+s19+$0x0], $0xffff  }
0x2f: {  	v4 =	vld.idx.msk [tilespmem:v4+s19+$0x0], $0xffff;
	[tilespmem:s23], [sflag:$0x3] =	stream.indirect.gather [hbm4b:s3+s18], $0x3E8, s16, s18, $0xb8  }
0x30: {  	_ =	swait.ge [sflag:s24], $0x7D00  }
0x31: {  	[sflag:s24] =	ssyncset.done $0x0  }
0x32: {  	[sflag:s24] =	ssyncadd.s32 $0xFFFF8300  }
0x33: {  	[hbm4b:s8+s2] =	stream.linear.scatter [tilespmem:s20], [sflag:$0x5], $0x7D00, $0x38;
	[tilespmem:$0x18778] =	vst v63  }
0x34: {  	v6 =	vld [tilespmem:$0x660]  }
0x35: {  	v7 =	vld [tilespmem:$0x20]  }
0x36: {  	v8 =	vld [tilespmem:$0x670]  }
0x37: {  	v9 =	vld [tilespmem:$0x30];
	_ =	sdelay $0x3  }
0x38: {  	v6 =	vadd.s32 v0, v6  }
0x39: {  	v8 =	vadd.s32 v1, v8;
	_ =	sdelay $0x1  }
0x3a: {  	v7 =	vld.idx.msk [tilespmem:v7+s17+$0x0], $0xffff  }
0x3b: {  	v9 =	vld.idx.msk [tilespmem:v9+s17+$0x0], $0xffff  }
0x3c: {  	v6 =	vld.idx.msk [tilespmem:v6+s20+$0x0], $0xffff  }
0x3d: {  	v8 =	vld.idx.msk [tilespmem:v8+s20+$0x0], $0xffff;
	_ =	swait.ge [sflag:s25], $0x7D00  }
0x3e: {  	[sflag:s25] =	ssyncset.done $0x0  }
0x3f: {  	s22 =	simm.s32 $0x60;
	[sflag:s25] =	ssyncadd.s32 $0xFFFF8300  }
0x40: {  	[tilespmem:s19], [sflag:$0x1] =	stream.indirect.gather [hbm4b:s3+s18], $0x3E8, s22, s18, $0xb8;
	[tilespmem:$0x18778] =	vst v63  }
0x41: {  	_ =	swait.ge [sflag:s28], $0x7D00  }
0x42: {  	[sflag:s28] =	ssyncset.done $0x0  }
0x43: {  	[sflag:s28] =	ssyncadd.s32 $0xFFFF8300  }
0x44: {  	[hbm4b:s26+s2] =	stream.linear.scatter [tilespmem:s23], [sflag:$0x6], $0x7D00, $0x38;
	[tilespmem:$0x18778] =	vst v63  }
0x45: {  	_ =	swait.ge [sflag:s29], $0x7D00  }
0x46: {  	[sflag:s29] =	ssyncset.done $0x0  }
0x47: {  	s14 =	simm.s32 $0x0;
	s16 =	simm.s32 $0x80;
	[sflag:s29] =	ssyncadd.s32 $0xFFFF8300  }
0x48: {  	[tilespmem:s20], [sflag:$0x2] =	stream.indirect.gather [hbm4b:s3+s18], $0x3E8, s16, s18, $0xb8;
	[tilespmem:$0x18778] =	vst v63  }
0x49: {  	v10 =	vld [tilespmem:s14+$0x680]  }
0x4a: {  	v11 =	vld [tilespmem:s14+$0x690]  }
0x4b: {  	v12 =	vld [tilespmem:s14+$0x50]  }
0x4c: {  	v13 =	vld [tilespmem:s14+$0x40];
	_ =	sdelay $0x3  }
0x4d: {  	v10 =	vadd.s32 v0, v10  }
0x4e: {  	v11 =	vadd.s32 v1, v11;
	_ =	sdelay $0x1  }
0x4f: {  	v12 =	vld.idx.msk [tilespmem:v12+s17+$0x0], $0xffff  }
0x50: {  	v13 =	vld.idx.msk [tilespmem:v13+s17+$0x0], $0xffff  }
0x51: {  	v10 =	vld.idx.msk [tilespmem:v10+s23+$0x0], $0xffff  }
0x52: {  	v11 =	vld.idx.msk [tilespmem:v11+s23+$0x0], $0xffff;
	_ =	swait.ge [sflag:s21], $0x7D00  }
0x53: {  	[sflag:s21] =	ssyncset.done $0x0  }
0x54: {  	s31 =	sadd.s32 $0xFA0, s26;
	[sflag:s21] =	ssyncadd.s32 $0xFFFF8300  }
0x55: {  	[hbm4b:s31+s2] =	stream.linear.scatter [tilespmem:s19], [sflag:$0x4], $0x7D00, $0x38;
	[tilespmem:$0x18778] =	vst v63  }
0x56: {  	_ =	swait.ge [sflag:s30], $0x7D00  }
0x57: {  	[sflag:s30] =	ssyncset.done $0x0  }
0x58: {  	s1 =	simm.s32 $0xA0;
	[sflag:s30] =	ssyncadd.s32 $0xFFFF8300  }
0x59: {  	[tilespmem:s23], [sflag:$0x3] =	stream.indirect.gather [hbm4b:s3+s18], $0x3E8, s1, s18, $0xb8;
	[tilespmem:$0x18778] =	vst v63  }
0x5a: {  	v14 =	vld [tilespmem:s14+$0x6A0]  }
0x5b: {  	v15 =	vld [tilespmem:s14+$0x6B0]  }
0x5c: {  	v16 =	vld [tilespmem:s14+$0x60]  }
0x5d: {  	v17 =	vld [tilespmem:s14+$0x70];
	_ =	sdelay $0x3  }
0x5e: {  	v14 =	vadd.s32 v0, v14  }
0x5f: {  	v15 =	vadd.s32 v1, v15;
	_ =	sdelay $0x1  }
0x60: {  	v16 =	vld.idx.msk [tilespmem:v16+s17+$0x0], $0xffff  }
0x61: {  	v17 =	vld.idx.msk [tilespmem:v17+s17+$0x0], $0xffff  }
0x62: {  	v14 =	vld.idx.msk [tilespmem:v14+s19+$0x0], $0xffff  }
0x63: {  	v15 =	vld.idx.msk [tilespmem:v15+s19+$0x0], $0xffff;
	_ =	swait.ge [sflag:s24], $0x7D00  }
0x64: {  	[sflag:s24] =	ssyncset.done $0x0  }
0x65: {  	s22 =	sadd.s32 $0x1F40, s26;
	[sflag:s24] =	ssyncadd.s32 $0xFFFF8300  }
0x66: {  	[hbm4b:s22+s2] =	stream.linear.scatter [tilespmem:s20], [sflag:$0x5], $0x7D00, $0x38;
	[tilespmem:$0x18778] =	vst v63  }
0x67: {  	v2 =	vsub.f32 v3, v2;
	_ =	swait.ge [sflag:s25], $0x7D00  }
0x68: {  	[sflag:s25] =	ssyncset.done $0x0  }
0x69: {  	v3 =	vsub.f32 v5, v4;
	v2 =	vadd.f32 $0.0e+00, v2;
	s31 =	simm.s32 $0xC0;
	[sflag:s25] =	ssyncadd.s32 $0xFFFF8300  }
0x6a: {  	[tilespmem:s19], [sflag:$0x1] =	stream.indirect.gather [hbm4b:s3+s18], $0x3E8, s31, s18, $0xb8;
	[tilespmem:$0x18778] =	vst v63  }
0x6b: {  	v2 =	vadd.f32 v3, v2;
	v3 =	vsub.f32 v7, v6;
	v4 =	vld [tilespmem:s14+$0x6C0]  }
0x6c: {  	v5 =	vld [tilespmem:s14+$0x80]  }
0x6d: {  	v2 =	vadd.f32 v3, v2;
	v3 =	vsub.f32 v9, v8;
	v6 =	vld [tilespmem:s14+$0x6D0]  }
0x6e: {  	v7 =	vld [tilespmem:s14+$0x90]  }
0x6f: {  	v2 =	vadd.f32 v3, v2;
	v3 =	vsub.f32 v13, v10  }
0x70: {  	v8 =	vadd.s32 v0, v4  }
0x71: {  	v2 =	vadd.f32 v3, v2;
	v4 =	vsub.f32 v12, v11  }
0x72: {  	v63 =	vadd.s32 v1, v6  }
0x73: {  	v3 =	vsub.f32 v16, v14;
	v2 =	vadd.f32 v4, v2  }
0x74: {  	v4 =	vld.idx.msk [tilespmem:v5+s17+$0x0], $0xffff  }
0x75: {  	v2 =	vadd.f32 v3, v2;
	v6 =	vld.idx.msk [tilespmem:v8+s20+$0x0], $0xffff;
	v8 =	vsub.f32 v17, v15  }
0x76: {  	s16 =	simm.s32 $0x180;
	v3 =	vld.idx.msk [tilespmem:v7+s17+$0x0], $0xffff  }
0x77: {  	s22 =	simm.s32 $0x300;
	s14 =	smov.u32 s26;
	v5 =	vld.idx.msk [tilespmem:v63+s20+$0x0], $0xffff;
	_ =	swait.ge [sflag:s28], $0x7D00;
	v2 =	vadd.f32 v8, v2  }
.LBB2_2:
0x78: {  	p0 =	sne.s32 s22, $0x1500;
	[sflag:s28] =	ssyncset.done $0x0;
	s14 =	sadd.s32 $0x2EE0, s14  }
0x79: {  	s1 =	smov.u32 s22;
	s22 =	sadd.s32 $0x180, s22;
	[sflag:s28] =	ssyncadd.s32 $0xFFFF8300  }
0x7a: {  	v4 =	vsub.f32 v4, v6;
	[hbm4b:s14+s2] =	stream.linear.scatter [tilespmem:s23], [sflag:$0x6], $0x7D00, $0x38;
	[tilespmem:$0x18778] =	vst v63  }
0x7b: {  	_ =	swait.ge [sflag:s29], $0x7D00  }
0x7c: {  	s31 =	sshra.s32 s16, $0x2;
	s16 =	smov.u32 s1;
	v2 =	vadd.f32 v4, v2;
	v3 =	vsub.f32 v3, v5;
	[sflag:s29] =	ssyncset.done $0x0  }
0x7d: {  	s1 =	sadd.s32 $0x80, s31;
	[sflag:s29] =	ssyncadd.s32 $0xFFFF8300  }
0x7e: {  	v2 =	vadd.f32 v3, v2;
	[tilespmem:s20], [sflag:$0x2] =	stream.indirect.gather [hbm4b:s3+s18], $0x3E8, s1, s18, $0xb8;
	[tilespmem:$0x18778] =	vst v63  }
0x7f: {  	v3 =	vld [tilespmem:s31+$0x680]  }
0x80: {  	v4 =	vld [tilespmem:s31+$0x690]  }
0x81: {  	v5 =	vld [tilespmem:s31+$0x40]  }
0x82: {  	v6 =	vld [tilespmem:s31+$0x50];
	_ =	sdelay $0x1  }
0x83: {  	v3 =	vadd.s32 v0, v3  }
0x84: {  	v4 =	vadd.s32 v1, v4;
	_ =	sdelay $0x3  }
0x85: {  	v3 =	vld.idx.msk [tilespmem:v3+s23+$0x0], $0xffff  }
0x86: {  	v6 =	vld.idx.msk [tilespmem:v6+s17+$0x0], $0xffff  }
0x87: {  	v4 =	vld.idx.msk [tilespmem:v4+s23+$0x0], $0xffff  }
0x88: {  	v5 =	vld.idx.msk [tilespmem:v5+s17+$0x0], $0xffff  }
0x89: {  	_ =	swait.ge [sflag:s21], $0x7D00  }
0x8a: {  	[sflag:s21] =	ssyncset.done $0x0  }
0x8b: {  	s1 =	sadd.s32 $0xFA0, s14;
	[sflag:s21] =	ssyncadd.s32 $0xFFFF8300  }
0x8c: {  	[hbm4b:s1+s2] =	stream.linear.scatter [tilespmem:s19], [sflag:$0x4], $0x7D00, $0x38;
	[tilespmem:$0x18778] =	vst v63  }
0x8d: {  	v4 =	vsub.f32 v6, v4;
	_ =	swait.ge [sflag:s30], $0x7D00  }
0x8e: {  	v3 =	vsub.f32 v5, v3;
	[sflag:s30] =	ssyncset.done $0x0  }
0x8f: {  	s1 =	sadd.s32 $0xA0, s31;
	[sflag:s30] =	ssyncadd.s32 $0xFFFF8300  }
0x90: {  	v2 =	vadd.f32 v3, v2;
	[tilespmem:s23], [sflag:$0x3] =	stream.indirect.gather [hbm4b:s3+s18], $0x3E8, s1, s18, $0xb8;
	[tilespmem:$0x18778] =	vst v63  }
0x91: {  	v3 =	vld [tilespmem:s31+$0x6A0]  }
0x92: {  	v5 =	vld [tilespmem:s31+$0x6B0]  }
0x93: {  	v6 =	vld [tilespmem:s31+$0x70]  }
0x94: {  	v7 =	vld [tilespmem:s31+$0x60];
	_ =	sdelay $0x1  }
0x95: {  	v3 =	vadd.s32 v0, v3  }
0x96: {  	v5 =	vadd.s32 v1, v5;
	_ =	sdelay $0x3  }
0x97: {  	v3 =	vld.idx.msk [tilespmem:v3+s19+$0x0], $0xffff  }
0x98: {  	v5 =	vld.idx.msk [tilespmem:v5+s19+$0x0], $0xffff  }
0x99: {  	v7 =	vld.idx.msk [tilespmem:v7+s17+$0x0], $0xffff  }
0x9a: {  	v6 =	vld.idx.msk [tilespmem:v6+s17+$0x0], $0xffff  }
0x9b: {  	_ =	swait.ge [sflag:s24], $0x7D00  }
0x9c: {  	s1 =	sadd.s32 $0x1F40, s14;
	[sflag:s24] =	ssyncset.done $0x0  }
0x9d: {  	[sflag:s24] =	ssyncadd.s32 $0xFFFF8300  }
0x9e: {  	[hbm4b:s1+s2] =	stream.linear.scatter [tilespmem:s20], [sflag:$0x5], $0x7D00, $0x38;
	[tilespmem:$0x18778] =	vst v63  }
0x9f: {  	v2 =	vadd.f32 v4, v2;
	v3 =	vsub.f32 v7, v3;
	_ =	swait.ge [sflag:s25], $0x7D00  }
0xa0: {  	s1 =	sadd.s32 $0xC0, s31;
	v4 =	vsub.f32 v6, v5;
	[sflag:s25] =	ssyncset.done $0x0  }
0xa1: {  	v2 =	vadd.f32 v3, v2;
	[sflag:s25] =	ssyncadd.s32 $0xFFFF8300  }
0xa2: {  	[tilespmem:s19], [sflag:$0x1] =	stream.indirect.gather [hbm4b:s3+s18], $0x3E8, s1, s18, $0xb8;
	[tilespmem:$0x18778] =	vst v63  }
0xa3: {  	v2 =	vadd.f32 v4, v2;
	v3 =	vld [tilespmem:s31+$0x6C0]  }
0xa4: {  	v4 =	vld [tilespmem:s31+$0x80]  }
0xa5: {  	v5 =	vld [tilespmem:s31+$0x6D0]  }
0xa6: {  	v7 =	vld [tilespmem:s31+$0x90];
	_ =	sdelay $0x1  }
0xa7: {  	v3 =	vadd.s32 v0, v3;
	_ =	sdelay $0x1  }
0xa8: {  	v5 =	vadd.s32 v1, v5;
	_ =	sdelay $0x1  }
.Ltmp0:
0xa9: {  	v4 =	vld.idx.msk [tilespmem:v4+s17+$0x0], $0xffff;
	(pc) =	sbr.rel @p0 .LBB2_2-.Ltmp0, $4  }
0xaa: {  	v6 =	vld.idx.msk [tilespmem:v3+s20+$0x0], $0xffff  }
0xab: {  	v3 =	vld.idx.msk [tilespmem:v7+s17+$0x0], $0xffff  }
0xac: {  	v5 =	vld.idx.msk [tilespmem:v5+s20+$0x0], $0xffff  }
0xad: {  	_ =	swait.ge [sflag:s28], $0x7D00  }
0xae: {  	[sflag:s28] =	ssyncset.done $0x0  }
0xaf: {  	s1 =	sadd.s32 $0x2EE0, s14;
	[sflag:s28] =	ssyncadd.s32 $0xFFFF8300  }
0xb0: {  	[hbm4b:s1+s2] =	stream.linear.scatter [tilespmem:s23], [sflag:$0x6], $0x7D00, $0x38;
	[tilespmem:$0x18778] =	vst v63  }
0xb1: {  	_ =	swait.ge [sflag:s29], $0x7D00  }
0xb2: {  	s14 =	sshra.s32 s16, $0x2;
	[sflag:s29] =	ssyncset.done $0x0  }
0xb3: {  	s16 =	sadd.s32 $0x80, s14;
	[sflag:s29] =	ssyncadd.s32 $0xFFFF8300  }
0xb4: {  	[tilespmem:s20], [sflag:$0x2] =	stream.indirect.gather [hbm4b:s3+s18], $0x3E8, s16, s18, $0xb8;
	[tilespmem:$0x18778] =	vst v63  }
0xb5: {  	v7 =	vld [tilespmem:s14+$0x680]  }
0xb6: {  	v8 =	vld [tilespmem:s14+$0x690]  }
0xb7: {  	v9 =	vld [tilespmem:s14+$0x50]  }
0xb8: {  	v10 =	vld [tilespmem:s14+$0x40];
	_ =	sdelay $0x3  }
0xb9: {  	v7 =	vadd.s32 v0, v7  }
0xba: {  	v8 =	vadd.s32 v1, v8;
	_ =	sdelay $0x1  }
0xbb: {  	v9 =	vld.idx.msk [tilespmem:v9+s17+$0x0], $0xffff  }
0xbc: {  	v10 =	vld.idx.msk [tilespmem:v10+s17+$0x0], $0xffff  }
0xbd: {  	v7 =	vld.idx.msk [tilespmem:v7+s23+$0x0], $0xffff  }
0xbe: {  	v8 =	vld.idx.msk [tilespmem:v8+s23+$0x0], $0xffff;
	_ =	swait.ge [sflag:s21], $0x7D00  }
0xbf: {  	[sflag:s21] =	ssyncset.done $0x0  }
0xc0: {  	s22 =	sadd.s32 $0xFA0, s1;
	[sflag:s21] =	ssyncadd.s32 $0xFFFF8300  }
0xc1: {  	[hbm4b:s22+s2] =	stream.linear.scatter [tilespmem:s19], [sflag:$0x4], $0x7D00, $0x38;
	[tilespmem:$0x18778] =	vst v63  }
0xc2: {  	_ =	swait.ge [sflag:s30], $0x7D00  }
0xc3: {  	[sflag:s30] =	ssyncset.done $0x0  }
0xc4: {  	s31 =	sadd.s32 $0xA0, s14;
	[sflag:s30] =	ssyncadd.s32 $0xFFFF8300  }
0xc5: {  	[tilespmem:s23], [sflag:$0x3] =	stream.indirect.gather [hbm4b:s3+s18], $0x3E8, s31, s18, $0xb8;
	[tilespmem:$0x18778] =	vst v63  }
0xc6: {  	v11 =	vld [tilespmem:s14+$0x6A0]  }
0xc7: {  	v12 =	vld [tilespmem:s14+$0x6B0]  }
0xc8: {  	v13 =	vld [tilespmem:s14+$0x60]  }
0xc9: {  	v14 =	vld [tilespmem:s14+$0x70];
	_ =	sdelay $0x3  }
0xca: {  	v11 =	vadd.s32 v0, v11  }
0xcb: {  	v12 =	vadd.s32 v1, v12;
	_ =	sdelay $0x1  }
0xcc: {  	v13 =	vld.idx.msk [tilespmem:v13+s17+$0x0], $0xffff  }
0xcd: {  	v14 =	vld.idx.msk [tilespmem:v14+s17+$0x0], $0xffff  }
0xce: {  	v11 =	vld.idx.msk [tilespmem:v11+s19+$0x0], $0xffff  }
0xcf: {  	v12 =	vld.idx.msk [tilespmem:v12+s19+$0x0], $0xffff;
	_ =	swait.ge [sflag:s24], $0x7D00  }
0xd0: {  	[sflag:s24] =	ssyncset.done $0x0  }
0xd1: {  	s1 =	sadd.s32 $0x1F40, s1;
	[sflag:s24] =	ssyncadd.s32 $0xFFFF8300  }
0xd2: {  	[hbm4b:s1+s2] =	stream.linear.scatter [tilespmem:s20], [sflag:$0x5], $0x7D00, $0x38;
	[tilespmem:$0x18778] =	vst v63  }
0xd3: {  	_ =	swait.ge [sflag:s25], $0x7D00  }
0xd4: {  	[sflag:s25] =	ssyncset.done $0x0  }
0xd5: {  	s16 =	sadd.s32 $0xC0, s14;
	[sflag:s25] =	ssyncadd.s32 $0xFFFF8300  }
0xd6: {  	[tilespmem:s19], [sflag:$0x1] =	stream.indirect.gather [hbm4b:s3+s18], $0x3E8, s16, s18, $0xb8;
	[tilespmem:$0x18778] =	vst v63  }
0xd7: {  	v15 =	vld [tilespmem:s14+$0x6C0]  }
0xd8: {  	v16 =	vld [tilespmem:s14+$0x80]  }
0xd9: {  	v17 =	vld [tilespmem:s14+$0x6D0]  }
0xda: {  	v18 =	vld [tilespmem:s14+$0x90];
	_ =	sdelay $0x3  }
0xdb: {  	v15 =	vadd.s32 v0, v15  }
0xdc: {  	v17 =	vadd.s32 v1, v17;
	_ =	sdelay $0x1  }
0xdd: {  	v16 =	vld.idx.msk [tilespmem:v16+s17+$0x0], $0xffff  }
0xde: {  	v18 =	vld.idx.msk [tilespmem:v18+s17+$0x0], $0xffff  }
0xdf: {  	v15 =	vld.idx.msk [tilespmem:v15+s20+$0x0], $0xffff  }
0xe0: {  	v17 =	vld.idx.msk [tilespmem:v17+s20+$0x0], $0xffff;
	_ =	swait.ge [sflag:s28], $0x7D00  }
0xe1: {  	[sflag:s28] =	ssyncset.done $0x0  }
0xe2: {  	[sflag:s28] =	ssyncadd.s32 $0xFFFF8300  }
0xe3: {  	[hbm4b:s9+s2] =	stream.linear.scatter [tilespmem:s23], [sflag:$0x6], $0x7D00, $0x38;
	[tilespmem:$0x18778] =	vst v63  }
0xe4: {  	v19 =	vld [tilespmem:$0xC20]  }
0xe5: {  	v20 =	vld [tilespmem:$0x5E0]  }
0xe6: {  	v21 =	vld [tilespmem:$0xC30]  }
0xe7: {  	v22 =	vld [tilespmem:$0x5F0];
	_ =	sdelay $0x3  }
0xe8: {  	v19 =	vadd.s32 v0, v19  }
0xe9: {  	v21 =	vadd.s32 v1, v21;
	_ =	sdelay $0x1  }
0xea: {  	v20 =	vld.idx.msk [tilespmem:v20+s17+$0x0], $0xffff  }
0xeb: {  	v22 =	vld.idx.msk [tilespmem:v22+s17+$0x0], $0xffff  }
0xec: {  	v19 =	vld.idx.msk [tilespmem:v19+s23+$0x0], $0xffff  }
0xed: {  	v21 =	vld.idx.msk [tilespmem:v21+s23+$0x0], $0xffff;
	_ =	swait.ge [sflag:s29], $0x7D00  }
0xee: {  	[sflag:s29] =	ssyncset.done $0x0  }
0xef: {  	s22 =	simm.s32 $0x620;
	[sflag:s29] =	ssyncadd.s32 $0xFFFF8300  }
0xf0: {  	[tilespmem:s20], [sflag:$0x2] =	stream.indirect.gather [hbm4b:s3+s18], $0x3E8, s22, s18, $0xb8;
	[tilespmem:$0x18778] =	vst v63  }
0xf1: {  	_ =	swait.ge [sflag:s21], $0x7D00  }
0xf2: {  	[sflag:s21] =	ssyncset.done $0x0  }
0xf3: {  	[sflag:s21] =	ssyncadd.s32 $0xFFFF8300  }
0xf4: {  	[hbm4b:s10+s2] =	stream.linear.scatter [tilespmem:s19], [sflag:$0x4], $0x7D00, $0x38;
	[tilespmem:$0x18778] =	vst v63  }
0xf5: {  	v23 =	vld [tilespmem:$0xC40]  }
0xf6: {  	v24 =	vld [tilespmem:$0x600]  }
0xf7: {  	v25 =	vld [tilespmem:$0xC50]  }
0xf8: {  	v26 =	vld [tilespmem:$0x610];
	_ =	sdelay $0x3  }
0xf9: {  	v23 =	vadd.s32 v0, v23  }
0xfa: {  	v25 =	vadd.s32 v1, v25;
	_ =	sdelay $0x1  }
0xfb: {  	v24 =	vld.idx.msk [tilespmem:v24+s17+$0x0], $0xffff  }
0xfc: {  	v4 =	vsub.f32 v4, v6;
	v52 =	vld.idx.msk [tilespmem:v26+s17+$0x0], $0xffff  }
0xfd: {  	v23 =	vld.idx.msk [tilespmem:v23+s19+$0x0], $0xffff  }
0xfe: {  	v2 =	vadd.f32 v4, v2;
	v3 =	vsub.f32 v3, v5;
	v25 =	vld.idx.msk [tilespmem:v25+s19+$0x0], $0xffff;
	_ =	swait.ge [sflag:s30], $0x7D00  }
0xff: {  	[sflag:s30] =	ssyncset.done $0x0  }
0x100: {  	v2 =	vadd.f32 v3, v2;
	v3 =	vsub.f32 v10, v7;
	[sflag:s30] =	ssyncadd.s32 $0xFFFF8300  }
0x101: {  	_ =	swait.ge [sflag:s24], $0x7D00  }
0x102: {  	v53 =	vsub.f32 v9, v8;
	v2 =	vadd.f32 v3, v2;
	[sflag:s24] =	ssyncset.done $0x0  }
0x103: {  	[sflag:s24] =	ssyncadd.s32 $0xFFFF8300  }
0x104: {  	v2 =	vadd.f32 v53, v2;
	v3 =	vsub.f32 v13, v11;
	[hbm4b:s11+s2] =	stream.linear.scatter [tilespmem:s20], [sflag:$0x5], $0x7D00, $0x38;
	[tilespmem:$0x18778] =	vst v63  }
0x105: {  	v54 =	vld [tilespmem:$0xC60]  }
0x106: {  	v55 =	vsub.f32 v14, v12;
	v2 =	vadd.f32 v3, v2;
	v3 =	vld [tilespmem:$0x620]  }
0x107: {  	v56 =	vld [tilespmem:$0xC70]  }
0x108: {  	v2 =	vadd.f32 v55, v2;
	v57 =	vsub.f32 v16, v15;
	v58 =	vld [tilespmem:$0x630];
	_ =	sdelay $0x1  }
0x109: {  	v59 =	vsub.f32 v18, v17;
	v2 =	vadd.f32 v57, v2;
	v4 =	vadd.s32 v0, v54;
	_ =	sdelay $0x1  }
0x10a: {  	v2 =	vadd.f32 v59, v2;
	v60 =	vsub.f32 v20, v19;
	v7 =	vadd.s32 v1, v56;
	_ =	sdelay $0x1  }
0x10b: {  	v61 =	vsub.f32 v22, v21;
	v2 =	vadd.f32 v60, v2;
	v3 =	vld.idx.msk [tilespmem:v3+s17+$0x0], $0xffff  }
0x10c: {  	v4 =	vld.idx.msk [tilespmem:v4+s20+$0x0], $0xffff  }
0x10d: {  	v2 =	vadd.f32 v61, v2;
	v62 =	vsub.f32 v24, v23;
	v8 =	vld.idx.msk [tilespmem:v58+s17+$0x0], $0xffff  }
0x10e: {  	v7 =	vld.idx.msk [tilespmem:v7+s20+$0x0], $0xffff  }
0x10f: {  	v63 =	vsub.f32 v52, v25;
	v2 =	vadd.f32 v62, v2;
	_ =	sdelay $0x1  }
0x110: {  	v2 =	vadd.f32 v63, v2;
	_ =	swait.ge [sflag:s25], $0x7D00;
	v3 =	vsub.f32 v3, v4  }
0x111: {  	[sflag:s25] =	ssyncset.done $0x0  }
0x112: {  	[sflag:s25] =	ssyncadd.s32 $0xFFFF8300;
	v2 =	vadd.f32 v3, v2;
	v3 =	vsub.f32 v8, v7  }
0x113: {  	_ =	swait.ge [sflag:s29], $0x7D00  }
0x114: {  	s0 =	sadd.s32 $0x1, s0;
	[sflag:s29] =	ssyncset.done $0x0;
	v2 =	vadd.f32 v3, v2  }
0x115: {  	p0 =	sne.s32 s0, s13;
	[sflag:s29] =	ssyncadd.s32 $0xFFFF8300  }
.Ltmp1:
0x116: {  	s31 =	simm.s32 $0x1068;
	[tilespmem:$0x1068] =	vst v2;
	(pc) =	sbr.rel @p0 .LBB2_1-.Ltmp1, $4  }
0x117: {  	[hbm4b:s12+s2] =	stream.linear.scatter [tilespmem:s31], [sflag:$0x7], $0x10, $0x38;
	[tilespmem:$0x18778] =	vst v63  }
0x118: {  	_ =	swait.ge [sflag:s15], $0x10  }
0x119: {  	[sflag:s15] =	ssyncset.done $0x0  }
0x11a: {  	[sflag:s15] =	ssyncadd.s32 $0xFFFFFFF0  }
0x11b: {  	_ =	sfence.sel $0x180000  }
0x11c: {  	[bflag:$0x0] =	sbarrier.arrive $0xFFFF  }
0x11d: {  	_ =	strace $0x90000047  }
0x11e: {  	s0 =	stileid.u32;
	[bflag:$0x2] =	sbarrier.arrive $0xFFFF  }
0x11f: {  	p0 =	sne.s32 s0, $0x0;
	s0 =	rddreg [dreg:$0x2]  }
0x120: {  	s0 =	sadd.s32 @!p0 $0x100000, s0  }
0x121: {  	[sflag:s0] =	ssyncadd.tile.s32 @!p0 $0x1;
	_ =	shalt  }
.Lfunc_end2:
_tile_overlayer_lowered:
.L_overlay_start_2:
0x122: {  	(tag) =	ssettag $0x2  }
0x123: {  	s0 =	rddreg [dreg:$0x0];
	s2 =	stileid.u32  }
0x124: {  	s1 =	rddreg [dreg:$0x1];
	p0 =	sne.s32 s2, $0x0  }
0x125: {  	s3 =	rddreg [dreg:$0x2];
	[bflag:$0x3] =	sbarrier.arrive $0xFFFF;
	s2 =	simm.s32 @!p0 $0x1C07  }
0x126: {  	[timem:s3], [sflag:s2] =	dma.local @!p0 [hbm:s0], s1  }
0x127: {  	s0 =	simm.s32 @!p0 $0x7  }
0x128: {  	_ =	swait.ge @!p0 [sflag:s0], s1  }
0x129: {  	s1 =	ssub.s32 @!p0 $0x0, s1;
	[sflag:s0] =	ssyncset.done @!p0 $0x0  }
0x12a: {  	[sflag:s0] =	ssyncadd.s32 @!p0 s1  }
0x12b: {  	[bflag:$0x3] =	sbarrier.arrive $0xFFFF  }
0x12c: {  	_ =	shalt  }

// kernel: sparse-core-data-format-call.cloned.1.call-start
scs
called_computation_lowered:
.L_overlay_start_0:
0x0: {  	s2 =	sld [smem:$0x3FD9]  }
0x1: {  	s3 =	sld [smem:$0x3FFE];
	_ =	sdelay $0x1  }
0x2: {  	s1 =	srdreg.scid  }
0x3: {  	s0 =	sand.u32 $0x1, s1  }
0x4: {  	s15 =	sshll.u32 s0, $0xA;
	s2 =	sadd.s32 s3, s2  }
0x5: {  	s2 =	sadd.s32 s2, s15  }
0x6: {  	[smem:$0x3FC5] =	sst s2  }
0x7: {  	_ = 	snop  }
0x8: {  	s2 =	sld [smem:$0x3FD0];
	_ =	sdelay $0x2  }
0x9: {  	s16 =	simm.s32 $0xA;
	s4 =	simm.s32 $0x10  }
0xa: {  	[smem:s4], [sflag:s16] =	dma.local [hbm:s2], $0x1  }
0xb: {  	_ =	swait.eq [sflag:s16], $0x1  }
0xc: {  	[sflag:s16] =	ssyncset.done $0x0  }
0xd: {  	[sflag:s16] =	ssyncadd.s32 $0xFFFFFFFF  }
0xe: {  	s17 =	sld [smem:$0x10];
	(tm) =	ssettm $0x1  }
0xf: {  	s18 =	sld [smem:$0x3FFB];
	_ =	sdelay $0x3  }
0x10: {  	_ =	strace s18  }
0x11: {  	s3 =	sld [smem:$0x3FFC];
	_ =	sdelay $0x3  }
0x12: {  	_ =	strace s3  }
0x13: {  	s3 =	sld [smem:$0x3FFD];
	_ =	sdelay $0x3  }
0x14: {  	_ =	strace s3  }
0x15: {  	_ =	strace $0x8FFFFFFF  }
0x16: {  	s19 =	sld [smem:$0x3FDB];
	_ =	sdelay $0x1  }
0x17: {  	s20 =	simm.s32 $_scs_section_size  }
0x18: {  	s5 =	simm.s32 $_size__tile_overlayer_lowered;
	s6 =	simm.s32 $_tile_overlayer_lowered  }
0x19: {  	s23 =	simm.s32 $0x1BFF;
	s22 =	sshll.u32 s6, $0x1;
	s3 =	sadd.s32 s20, s19  }
0x1a: {  	s7 =	simm.s32 $0x0;
	s21 =	sshll.u32 s5, $0x1;
	s5 =	sadd.s32 s22, s3  }
0x1b: {  	[timem:s7], [sflag:s23] =	dma.local [hbm:s5], s21  }
0x1c: {  	_ =	swait.ge [sflag:s23], s21  }
0x1d: {  	s4 =	ssub.s32 $0x0, s21;
	[sflag:s23] =	ssyncset.done $0x0  }
0x1e: {  	[sflag:s23] =	ssyncadd.s32 s4;
	_ =	sdelay $0x1  }
0x1f: {  	s24 =	simm.s32 $0x1B8B  }
0x20: {  	_ =	swait.ge [sflag:s24], $0x1  }
0x21: {  	[sflag:s24] =	ssyncset.done $0x0  }
0x22: {  	s26 =	simm.s32 $0x1B8E;
	s25 =	sld [smem:$0x3FFE];
	[sflag:s24] =	ssyncadd.s32 $0xFFFFFFFF  }
0x23: {  	s27 =	simm.s32 $execute0_lowered;
	[smem:$0x3FD2] =	sst s26  }
0x24: {  	s5 =	sshll.u32 s27, $0x1;
	_ =	strace $0x80000049;
	[dreg:$0x1] =	wrdreg $0xFFFFFFFF  }
0x25: {  	s28 =	simm.s32 $_size_execute0_lowered;
	s3 =	sadd.s32 s3, s5;
	[dreg:$0x0] =	wrdreg $0x0  }
0x26: {  	s5 =	sshll.u32 s28, $0x1;
	[dreg:$0x2] =	wrdreg s3  }
0x27: {  	[dreg:$0x3] =	wrdreg s5  }
0x28: {  	[dreg:$0x4] =	wrdreg $0xC0  }
0x29: {  	_ =	task [dreg:s7], $0x5FFFF  }
0x2a: {  	[dreg:$0x1] =	wrdreg $0xFFFFFFFF  }
0x2b: {  	[dreg:$0x0] =	wrdreg $0x60  }
0x2c: {  	[dreg:$0x2] =	wrdreg s25  }
0x2d: {  	[dreg:$0x3] =	wrdreg s17  }
0x2e: {  	[dreg:$0x4] =	wrdreg $0x9  }
0x2f: {  	_ =	task.clear_ibuf [dreg:s7], $0x5FFFF;
	_ =	strace $0x90000049  }
0x30: {  	s29 =	simm.s32 $0x9;
	_ =	strace $0x8000004B  }
0x31: {  	_ =	swait.ge [sflag:s29], $0x1  }
0x32: {  	[sflag:s29] =	ssyncadd.s32 $0xFFFFFFFF  }
0x33: {  	_ =	strace $0x9000004B  }
0x34: {  	_ =	sfence  }
0x35: {  	s30 =	sld [smem:$0x0];
	_ =	sdelay $0x2  }
0x36: {  	s31 =	sshll.u32 s1, $0xD;
	s1 =	sshrl.u32 s1, $0x2  }
0x37: {  	s3 =	sand.u32 $0x4000, s31;
	s1 =	sadd.s32 s1, s30  }
0x38: {  	s0 =	sor.u32 s3, s0;
	s1 =	sshll.u32 s1, $0x11  }
0x39: {  	s0 =	sor.u32 s1, s0  }
0x3a: {  	s0 =	sadd.s32 $0x8F2B, s0  }
0x3b: {  	[sflag:s0] =	ssyncadd.remote.s32 $0x1  }
0x3c: {  	_ =	sfence.sel $0xFFFF  }
0x3d: {  	[dreg:$0x0] =	wrdreg $0xFFFFFFFF;
	(pc) =	sbr.abs _section_cstart, $3  }
0x3e: {  	[dreg:$0x1] =	wrdreg $0xFFFFFFFF  }
0x3f: {  	_ =	task.clear_ibuf [dreg:s7], $0x2FFFF;
	_ =	strace $0x9FFFFFFF  }
0x40: {  	(tm) =	ssettm $0x7FFFFFFF  }
0x41: {  	_ =	shalt  }
tec
execute0_lowered:
.L_overlay_start_1:
0x0: {  	(tag) =	ssettag $0x1  }
0x1: {  	s4 =	rddreg [dreg:$0x0]  }
0x2: {  	s2 =	rddreg [dreg:$0x1];
	s1 =	stileid.u32  }
0x3: {  	s3 =	srdreg.scid;
	s0 =	rddreg [dreg:$0x2];
	_ =	strace $0x8000004A  }
0x4: {  	s10 =	simm.s32 $0x2;
	s14 =	simm.s32 $0x0;
	s16 =	simm.s32 $0x0  }
0x5: {  	s12 =	simm.s32 $0x0;
	s15 =	simm.s32 $0x0;
	s3 =	sshll.u32 s3, $0x4  }
0x6: {  	s5 =	sshll.u32 s1, $0x7;
	s4 =	sadd.s32 $0x23400, s4;
	s6 =	sand.u32 $0x10, s3  }
0x7: {  	s3 =	sand.u32 $0x180, s5;
	s5 =	simm.s32 $0x1;
	s8 =	sor.u32 s1, s6  }
0x8: {  	s31 =	ssub.s32 $0xC800, s3;
	[sflag:s5] =	ssyncpa.u1 $0x0;
	s13 =	smov.u32 s3  }
.Ltmp0:
0x9: {  	s7 =	sshll.u32 s8, $0x5;
	s9 =	sand.u32 $0x180, s31;
	(pc) =	sbr.rel .LBB1_1-.Ltmp0, $4  }
0xa: {  	s11 =	sshrl.u32 s31, $0x9;
	p0 =	sne.s32 s9, $0x0;
	s9 =	simm.s32 $0x1  }
0xb: {  	[sflag:s10] =	ssyncpa.u1 $0x0;
	s8 =	sshll.u32 s8, $0x8;
	s9 =	simm.s32 @!p0 $0x0  }
0xc: {  	s10 =	simm.s32 $0x64000;
	s6 =	sand.u32 $0x380, s7;
	s7 =	sadd.s32 s9, s11  }
0xd: {  	p0 =	por $0x0, $0x0;
	s11 =	simm.s32 $0x0;
	s9 =	sadd.s32 $0x1, s7  }
.LBB1_4:
0xe: {  	s22 =	sshrl.u32 s11, $0x3  }
0xf: {  	s23 =	sshll.u32 s12, $0x3;
	s24 =	sand.u32 $0x7F, s12;
	s22 =	smul.u32 $0x64000, s22  }
0x10: {  	v5 =	vld [tilespmem:s18+$0xFFFFFFD0];
	s21 =	sshra.s32 s21, $0x2;
	s25 =	sshra.s32 s12, $0x1F;
	s23 =	sand.u32 $0xFFFFFC00, s23  }
0x11: {  	[tilespmem:s20+$0x2040 ss:$0x81] =	vst.msk $0xffff, v4;
	v58 =	vld [tilespmem:s18+$0xFFFFFFE0];
	p1 =	sgt.s32 s12, $0xC780;
	s25 =	sand.u32 s25, s12;
	s22 =	sadd.s32 s23, s22  }
0x12: {  	[tilespmem:s20+$0x2850 ss:$0x81] =	vst.msk $0xffff, v3;
	v59 =	vld [tilespmem:s18+$0xFFFFFFF0];
	s23 =	sor.u32 s24, s22;
	s22 =	smulhi.u32 $0x51EB851F, s22;
	s24 =	smov.u32 s12  }
0x13: {  	[tilespmem:s20+$0x3060 ss:$0x81] =	vst.msk $0xffff, v2;
	v60 =	vld [tilespmem:s18+$0x0];
	s19 =	sadd.s32 s21, s19;
	s26 =	smulhi.u32 $0x51EB851F, s23;
	s24 =	simm.s32 @!p1 $0xC780  }
0x14: {  	[tilespmem:s20+$0x0 ss:$0x81] =	vst.msk $0xffff, v0;
	v61 =	vld [tilespmem:s18+$0x10];
	p1 =	sgt.s32 s11, $0x368;
	s28 =	sshrl.u32 s22, $0xE;
	s29 =	ssub.s32 s24, s25  }
0x15: {  	[tilespmem:s19+$0x3870 ss:$0x81] =	vst.msk $0xffff, v1;
	s30 =	sshrl.u32 s26, $0xE;
	s31 =	smulhi.u32 $0x418938, s28;
	s25 =	sadd.s32 $0xFFFF3880, s29  }
0x16: {  	v62 =	vld [tilespmem:s18+$0x20];
	[tilespmem:s19+$0x810 ss:$0x81] =	vst.msk $0xffff, v5;
	s22 =	smul.u32 $0xC800, s30;
	p2 =	sgt.s32 s25, $0x7F;
	s25 =	smov.u32 s11  }
0x17: {  	v63 =	vld [tilespmem:s18+$0xFFFFFFC0];
	[tilespmem:s19+$0x1020 ss:$0x81] =	vst.msk $0xffff, v58;
	s21 =	ssub.s32 $0xC800, s29;
	s25 =	simm.s32 @!p1 $0x368;
	s26 =	smul.u32 $0x3E8, s31  }
0x18: {  	[tilespmem:s19+$0x1830 ss:$0x81] =	vst.msk $0xffff, v59;
	s21 =	simm.s32 @p2 $0x0;
	s27 =	ssub.s32 $0x3E8, s25  }
0x19: {  	[tilespmem:s19+$0x2040 ss:$0x81] =	vst.msk $0xffff, v60;
	s22 =	ssub.s32 s23, s22;
	s18 =	ssub.s32 s28, s26;
	s28 =	smul.u32 s27, s21  }
0x1a: {  	[tilespmem:s19+$0x2850 ss:$0x81] =	vst.msk $0xffff, v61;
	s29 =	sshrl.u32 s22, $0x3;
	s22 =	sand.u32 $0x7, s22;
	s18 =	smul.u32 $0x1900, s18  }
0x1b: {  	[tilespmem:s19+$0x3060 ss:$0x81] =	vst.msk $0xffff, v62;
	s21 =	sadd.s32 s2, s29;
	s22 =	sshll.u32 s22, $0x12  }
0x1c: {  	[tilespmem:s19+$0x0 ss:$0x81] =	vst.msk $0xffff, v63;
	s30 =	sand.u32 $0x3FFFFFF8, s28;
	s31 =	sor.u32 $0x400, s22;
	s18 =	sadd.s32 s18, s21  }
0x1d: {  	[hbm4b:s18+s31] =	stream.strided.scatter [tilespmem:s17], [sflag:$0x2], s30, s10, s31, $0x20;
	[tilespmem:$0x10100] =	vst v63  }
.LBB1_5:
0x1e: {  	p1 =	slt.u32 s15, $0x2  }
0x1f: {  	p2 =	sgt.s32 @!p1 s16, $0xC780  }
0x20: {  	s17 =	smov.u32 s16;
	s18 =	sshra.s32 @!p1 s16, $0x1F;
	p2 =	por !p2, p1  }
0x21: {  	s16 =	sand.u32 @!p1 s18, s16;
	s17 =	simm.s32 @p2 $0xC780  }
0x22: {  	s16 =	ssub.s32 @!p1 s17, s16  }
0x23: {  	p2 =	sgt.s32 @!p1 s14, $0x368;
	s17 =	sadd.s32 @!p1 $0xFFFF3880, s16  }
0x24: {  	s18 =	sadd.s32 $0x200, s13;
	p2 =	por !p2, p1;
	p3 =	sgt.s32 @!p1 s17, $0x7F  }
0x25: {  	s14 =	simm.s32 @p2 $0x368;
	s16 =	ssub.s32 @!p1 $0xC800, s16;
	p2 =	por !p3, p1  }
0x26: {  	s14 =	ssub.s32 @!p1 $0x3E8, s14;
	s16 =	simm.s32 @!p2 $0x0;
	p2 =	sgt.s32 s18, $0xC7FF  }
0x27: {  	s14 =	smul.u32 @!p1 s14, s16;
	s18 =	smov.u32 @p2 s3;
	p2 =	sne.s32 s15, s9  }
.Ltmp1:
0x28: {  	s20 =	sadd.s32 $0x1, s15;
	p0 =	por !p0, !p0;
	(pc) =	sbr.rel @!p2 .LBB1_6-.Ltmp1, $4  }
0x29: {  	s17 =	simm.s32 @!p1 $0x2;
	s16 =	smov.u32 s12;
	s14 =	sand.u32 @!p1 $0x3FFFFFFF, s14  }
0x2a: {  	s12 =	smov.u32 s13;
	s15 =	smov.u32 s20;
	_ =	swait.ge @!p1 [sflag:s17], s14  }
0x2b: {  	s13 =	smov.u32 s18;
	s19 =	ssub.s32 @!p1 $0x0, s14;
	[sflag:s17] =	ssyncset.done @!p1 $0x0  }
0x2c: {  	s14 =	smov.u32 s11;
	s11 =	smov.u32 s6;
	[sflag:s17] =	ssyncadd.s32 @!p1 s19  }
.LBB1_1:
0x2d: {  	p1 =	sge.u32 s15, s7  }
0x2e: {  	s17 =	sshll.u32 @!p1 s13, $0xA  }
0x2f: {  	s17 =	sand.u32 @!p1 $0xFFFFE000, s17  }
0x30: {  	s17 =	sor.u32 @!p1 s8, s17  }
0x31: {  	s17 =	sshrl.u32 @!p1 s17, $0xA  }
0x32: {  	s18 =	smulhi.u32 @!p1 $0x28F5C3, s17;
	_ =	sdelay $0x1  }
0x33: {  	s18 =	sshrl.u32 @!p1 s18, $0x5  }
0x34: {  	s18 =	smul.u32 @!p1 $0xC800, s18  }
0x35: {  	s31 =	sadd.s32 $0xFFFFFFFF, s15;
	s19 =	sxor.u32 @!p1 $0xFFFFFFFF, s15;
	s20 =	sshll.u32 @!p1 s13, $0x4  }
0x36: {  	s19 =	sshll.u32 @!p1 s19, $0xE;
	s17 =	ssub.s32 @!p1 s17, s18;
	s18 =	sand.u32 @!p1 $0x70, s20  }
0x37: {  	s19 =	sand.u32 @!p1 $0x4000, s19;
	s17 =	sshll.u32 @!p1 s17, $0x7;
	s18 =	sadd.s32 @!p1 s4, s18  }
0x38: {  	s20 =	simm.s32 @!p1 $0x2000;
	s17 =	sadd.s32 @!p1 s17, s18;
	s18 =	simm.s32 @!p1 $0x400  }
0x39: {  	[tilespmem:s19], [sflag:$0x1] =	stream.strided.gather @!p1 [hbm4b:s17+s18], $0x4000, s20, s18, $0x38;
	[tilespmem:$0x10100] =	vst v63  }
0x3a: {  	p1 =	sge.u32 s31, s7  }
.Ltmp2:
0x3b: {  	_ = 	snop;
	(pc) =	sbr.rel @p1 .LBB1_5-.Ltmp2, $1  }
0x3c: {  	_ =	sdelay $0x3  }
0x3d: {  	s17 =	simm.s32 $0x1  }
0x3e: {  	_ =	swait.ge [sflag:s5], $0x4000;
	s17 =	simm.s32 @!p0 $0x0  }
0x3f: {  	[sflag:s5] =	ssyncset.done $0x0;
	s18 =	sshll.u32 s17, $0xE  }
0x40: {  	[sflag:s5] =	ssyncadd.s32 $0xFFFFC000;
	s18 =	sor.u32 $0x40, s18  }
0x41: {  	s17 =	smul.u32 $0x10200, s17;
	v0 =	vld [tilespmem:s18+$0x30]  }
0x42: {  	v1 =	vld [tilespmem:s18+$0xFFFFFFD0]  }
0x43: {  	s17 =	sshrl.u32 s17, $0x2;
	v5 =	vld [tilespmem:s18+$0xFFFFFFE0]  }
0x44: {  	v6 =	vld [tilespmem:s18+$0xFFFFFFF0];
	s19 =	sor.u32 $0x8000, s17  }
0x45: {  	s31 =	sand.u32 $0x1, s15;
	v4 =	vld [tilespmem:s18+$0x0];
	s20 =	sadd.s32 $0x0, s19  }
0x46: {  	v3 =	vld [tilespmem:s18+$0x10];
	s17 =	smul.u32 $0x10200, s31;
	[tilespmem:s20+$0x3870 ss:$0x81] =	vst.msk $0xffff, v0  }
0x47: {  	v2 =	vld [tilespmem:s18+$0x20];
	[tilespmem:s20+$0x810 ss:$0x81] =	vst.msk $0xffff, v1  }
0x48: {  	s17 =	sshrl.u32 s17, $0x2;
	v0 =	vld [tilespmem:s18+$0xFFFFFFC0];
	[tilespmem:s20+$0x1020 ss:$0x81] =	vst.msk $0xffff, v5;
	s18 =	sadd.s32 $0x80, s18  }
0x49: {  	s21 =	simm.s32 $0x4;
	s22 =	simm.s32 $0x8;
	s17 =	sor.u32 $0x8000, s17;
	[tilespmem:s20+$0x1830 ss:$0x81] =	vst.msk $0xffff, v6;
	v1 =	vld [tilespmem:s18+$0x30]  }
.LBB1_3:
0x4a: {  	p1 =	sne.s32 s22, $0x1FC;
	v5 =	vld [tilespmem:s18+$0xFFFFFFD0];
	[tilespmem:s20+$0x2040 ss:$0x81] =	vst.msk $0xffff, v4  }
0x4b: {  	v6 =	vld [tilespmem:s18+$0xFFFFFFE0];
	[tilespmem:s20+$0x2850 ss:$0x81] =	vst.msk $0xffff, v3  }
0x4c: {  	s23 =	sshra.s32 s21, $0x2;
	s21 =	smov.u32 s22;
	v7 =	vld [tilespmem:s18+$0xFFFFFFF0];
	[tilespmem:s20+$0x3060 ss:$0x81] =	vst.msk $0xffff, v2  }
.Ltmp3:
0x4d: {  	v4 =	vld [tilespmem:s18+$0x0];
	[tilespmem:s20+$0x0 ss:$0x81] =	vst.msk $0xffff, v0;
	s20 =	sadd.s32 s23, s19;
	(pc) =	sbr.rel @p1 .LBB1_3-.Ltmp3, $4  }
0x4e: {  	v3 =	vld [tilespmem:s18+$0x10];
	[tilespmem:s20+$0x3870 ss:$0x81] =	vst.msk $0xffff, v1  }
0x4f: {  	[tilespmem:s20+$0x810 ss:$0x81] =	vst.msk $0xffff, v5;
	v2 =	vld [tilespmem:s18+$0x20]  }
0x50: {  	v0 =	vld [tilespmem:s18+$0xFFFFFFC0];
	[tilespmem:s20+$0x1020 ss:$0x81] =	vst.msk $0xffff, v6;
	s18 =	sadd.s32 $0x80, s18  }
0x51: {  	s22 =	sadd.s32 $0x4, s22;
	v1 =	vld [tilespmem:s18+$0x30];
	[tilespmem:s20+$0x1830 ss:$0x81] =	vst.msk $0xffff, v7  }
.Ltmp4:
0x52: {  	_ = 	snop;
	(pc) =	sbr.rel .LBB1_4-.Ltmp4, $1  }
0x53: {  	_ =	sdelay $0x3  }
.LBB1_6:
0x54: {  	_ =	sfence.sel $0x180000  }
0x55: {  	s2 =	simm.s32 $0x1;
	[bflag:$0x0] =	sbarrier.arrive $0xFFFF  }
0x56: {  	s31 =	simm.s32 $0x2;
	[sflag:s2] =	ssyncpa.u1 $0x1  }
0x57: {  	[sflag:s31] =	ssyncpa.u1 $0x1  }
0x58: {  	p0 =	sne.s32 s1, $0x0;
	_ =	strace $0x9000004A  }
0x59: {  	s0 =	sadd.s32 @!p0 $0x100000, s0;
	[bflag:$0x2] =	sbarrier.arrive $0xFFFF  }
0x5a: {  	[sflag:s0] =	ssyncadd.tile.s32 @!p0 $0x1;
	_ =	shalt  }
.Lfunc_end1:
_tile_overlayer_lowered:
.L_overlay_start_2:
0x5b: {  	(tag) =	ssettag $0x2  }
0x5c: {  	s0 =	rddreg [dreg:$0x0];
	s2 =	stileid.u32  }
0x5d: {  	s1 =	rddreg [dreg:$0x1];
	p0 =	sne.s32 s2, $0x0  }
0x5e: {  	s3 =	rddreg [dreg:$0x2];
	[bflag:$0x3] =	sbarrier.arrive $0xFFFF;
	s2 =	simm.s32 @!p0 $0x1C01  }
0x5f: {  	[timem:s3], [sflag:s2] =	dma.local @!p0 [hbm:s0], s1  }
0x60: {  	s0 =	simm.s32 @!p0 $0x1  }
0x61: {  	_ =	swait.ge @!p0 [sflag:s0], s1  }
0x62: {  	s1 =	ssub.s32 @!p0 $0x0, s1;
	[sflag:s0] =	ssyncset.done @!p0 $0x0  }
0x63: {  	[sflag:s0] =	ssyncadd.s32 @!p0 s1  }
0x64: {  	[bflag:$0x3] =	sbarrier.arrive $0xFFFF  }
0x65: {  	_ =	shalt  }

</sc_bundles>
